<compile_context>
chip_gen: v7x
topology: tpu7x:2x2x1
jax: 0.10.2.dev20260603
libtpu: 0.0.44.dev20260713+nightly
codegen_flags: <defaults>
</compile_context>

<pallas_src>
import functools

import jax
import jax.numpy as jnp
from jax import lax
from jax.experimental import pallas as pl
from jax.experimental.pallas import tpu as pltpu
from jax.experimental.pallas import tpu_sc as plsc

MARGIN_ = 0.2

B = 16384
D = 128
NW = 32
BPW = B // NW
C = 128
NCHUNK = BPW // C
NBUF = 2

_mesh = plsc.VectorSubcoreMesh(core_axis_name="c", subcore_axis_name="s")


def _sqrt16(x):
    xs = jnp.maximum(x, 1e-20)
    i = plsc.bitcast(xs, jnp.int32)
    i = 0x5F3759DF - lax.shift_right_logical(i, 1)
    y = plsc.bitcast(i, jnp.float32)
    for _ in range(3):
        y = y * (1.5 - 0.5 * xs * y * y)
    return x * y


@functools.partial(
    pl.kernel,
    mesh=_mesh,
    compiler_params=pltpu.CompilerParams(needs_layout_passes=False),
    out_type=jax.ShapeDtypeStruct((NW * 16,), jnp.float32),
    scratch_types=(
        [pltpu.VMEM((3 * C,), jnp.int32)] * NBUF
        + [pltpu.VMEM((3 * C, D), jnp.float32)] * NBUF
        + [pltpu.VMEM((16,), jnp.float32)]
        + [pltpu.SemaphoreType.DMA] * NBUF
    ),
)
def _sc_loss(trip_hbm, emb_hbm, out_hbm, *refs):
    ix = refs[0:NBUF]
    rows = refs[NBUF:2 * NBUF]
    acc_v = refs[2 * NBUF]
    sems = refs[2 * NBUF + 1:]
    wid = lax.axis_index("s") * 2 + lax.axis_index("c")
    base = wid * BPW
    lane = lax.iota(jnp.int32, 16)

    def stage(c, b):
        off = base + c * C
        pltpu.sync_copy(trip_hbm.at[pl.ds(off, C)], ix[b].at[pl.ds(0, C)])
        pltpu.sync_copy(trip_hbm.at[pl.ds(B + off, C)],
                        ix[b].at[pl.ds(C, C)])
        pltpu.sync_copy(trip_hbm.at[pl.ds(2 * B + off, C)],
                        ix[b].at[pl.ds(2 * C, C)])
        return pltpu.async_copy(emb_hbm.at[ix[b]], rows[b], sems[b])

    acc_v[...] = jnp.zeros((16,), jnp.float32)
    stage(0, 0)

    def chunk_pair(cc, _):
        for b in range(NBUF):
            c = cc * NBUF + b
            nb = (b + 1) % NBUF

            @pl.when(c + 1 < NCHUNK)
            def _(c=c, nb=nb):
                stage(c + 1, nb)

            pltpu.make_async_copy(emb_hbm.at[ix[b]], rows[b], sems[b]).wait()
            compute(c, b)
        return 0

    def compute(c, b):
        rows_b = rows[b]

        def body(g, _, rows_b=rows_b):
            def tbody(k, vs, rows_b=rows_b, g=g):
                vp2, vn2 = vs
                t = g * 16 + k

                def jbody(j, accs, rows_b=rows_b, t=t):
                    acc_p, acc_n = accs
                    av = rows_b[t, pl.ds(j * 16, 16)]
                    pv = rows_b[C + t, pl.ds(j * 16, 16)]
                    nv = rows_b[2 * C + t, pl.ds(j * 16, 16)]
                    dp = av - pv
                    dn = av - nv
                    return (acc_p + dp * dp, acc_n + dn * dn)

                z16 = jnp.zeros((16,), jnp.float32)
                acc_p, acc_n = lax.fori_loop(0, D // 16, jbody, (z16, z16))
                vp2 = jnp.where(lane == k, jnp.sum(acc_p), vp2)
                vn2 = jnp.where(lane == k, jnp.sum(acc_n), vn2)
                return (vp2, vn2)

            zero16 = jnp.zeros((16,), jnp.float32)
            vp2, vn2 = lax.fori_loop(0, 16, tbody, (zero16, zero16))
            loss = jnp.maximum(_sqrt16(vp2) - _sqrt16(vn2) + MARGIN_, 0.0)
            acc_v[...] = acc_v[...] + loss
            return 0

        lax.fori_loop(0, C // 16, body, 0)

    lax.fori_loop(0, NCHUNK // NBUF, chunk_pair, 0)
    pltpu.sync_copy(acc_v, out_hbm.at[pl.ds(wid * 16, 16)])


def _tc_finish_body(part_ref, out_ref):
    out_ref[0, 0] = jnp.sum(part_ref[...]) * (1.0 / B)


_tc_finish = pl.pallas_call(
    _tc_finish_body,
    out_shape=jax.ShapeDtypeStruct((1, 1), jnp.float32),
    out_specs=pl.BlockSpec(memory_space=pltpu.SMEM),
)


def kernel(triplets, embeddings):
    triplets = triplets.astype(jnp.int32)
    part = _sc_loss(triplets.T.reshape(-1), embeddings)
    return _tc_finish(part).reshape(())

# --- scband reference (transcript-rebuilt; emitter-appended) ---
"""Pipeline reference for scband-triplet-loss-56427280335219 (READ-ONLY COPY).

The authoritative reference and input builder live on the scoring server;
editing this copy changes nothing except your own understanding.
"""

import jax, jax.numpy as jnp
import numpy as np

MARGIN = 0.2

def setup_inputs(seed: int = 0) -> dict:
    key = jax.random.key(seed)
    k1, k2 = jax.random.split(key)
    triplets = jax.random.randint(k1, (16384, 3), 0, 100000, dtype=jnp.int32)
    embeddings = jax.random.normal(k2, (100000, 128), dtype=jnp.float32)
    return {"triplets": triplets, "embeddings": embeddings}

def reference(triplets, embeddings):
    triplets = triplets.astype(jnp.int32)
    anchor = jnp.take(embeddings, triplets[:, 0], axis=0)
    positive = jnp.take(embeddings, triplets[:, 1], axis=0)
    negative = jnp.take(embeddings, triplets[:, 2], axis=0)
    positive_distances = jnp.sqrt(jnp.sum((anchor - positive) ** 2, axis=1))
    negative_distances = jnp.sqrt(jnp.sum((anchor - negative) ** 2, axis=1))
    losses = jax.nn.relu(positive_distances - negative_distances + MARGIN)
    return losses.mean()

if __name__ == "__main__":
    import jax
    _d = setup_inputs()
    print(jax.jit(kernel)(*tuple(_d.values())))

</pallas_src>

<mosaic_0001>
#map = affine_map<(d0, d1) -> (0)>
#map1 = affine_map<(d0, d1) -> (0, 0)>
module attributes {stable_mosaic.version = 14 : i64} {
  func.func @_sc_loss(%arg0: i32, %arg1: i32, %arg2: memref<49152xi32, #tpu.memory_space<hbm>>, %arg3: memref<100000x128xf32, #tpu.memory_space<hbm>>, %arg4: memref<512xf32, #tpu.memory_space<hbm>>, %arg5: memref<384xi32, #tpu.memory_space<vmem>>, %arg6: memref<384xi32, #tpu.memory_space<vmem>>, %arg7: memref<384x128xf32, #tpu.memory_space<vmem>>, %arg8: memref<384x128xf32, #tpu.memory_space<vmem>>, %arg9: memref<16xf32, #tpu.memory_space<vmem>>, %arg10: memref<!tpu.dma_semaphore, #tpu.memory_space<semaphore_mem>>, %arg11: memref<!tpu.dma_semaphore, #tpu.memory_space<semaphore_mem>>) attributes {dimension_semantics = [#tpu.dimension_semantics<core_parallel>, #tpu.dimension_semantics<subcore_parallel>], iteration_bounds = array<i64: 2, 16>, scalar_prefetch = 0 : i64, scratch_operands = 7 : i64, tpu.core_type = #tpu.core_type<sc_vector_subcore>, window_params = [{transform_indices = #map}, {transform_indices = #map1}, {transform_indices = #map}]} {
    %mul3A = arith.constant 2 : i32
    %mul3A_0 = arith.muli %arg1, %mul3A : i32
    %add3A = arith.addi %mul3A_0, %arg0 : i32
    %mul3A_1 = arith.constant 512 : i32
    %mul3A_2 = arith.muli %add3A, %mul3A_1 : i32
    %iota3A = tpu.iota {dimensions = array<i32: 0>} : vector<16xi32>
    %broadcast_in_dim3A = arith.constant 0.000000e+00 : f32
    %broadcast_in_dim3A_3 = vector.broadcast %broadcast_in_dim3A : f32 to vector<16xf32>
    %swap3A = arith.constant 0 : index
    %swap3A_4 = tpu.vector_load %arg9[%swap3A] {strides = array<i32>} : memref<16xf32, #tpu.memory_space<vmem>>, vector<16xf32>,
    tpu.vector_store %arg9[%swap3A], %broadcast_in_dim3A_3 {strides = array<i32>} : memref<16xf32, #tpu.memory_space<vmem>>, vector<16xf32>,
    %add3A_5 = arith.constant 0 : i32
    %add3A_6 = arith.addi %mul3A_2, %add3A_5 : i32
    "tpu.region"() ({
      %run_scoped3A = tpu.sem_alloc : memref<!tpu.dma_semaphore, #tpu.memory_space<semaphore_mem>>
      %dma_start3A_21 = arith.constant 0 : i32
      %dma_start3A_22 = tpu.memref_slice %arg5[%dma_start3A_21] : memref<384xi32, #tpu.memory_space<vmem>> -> memref<128xi32, #tpu.memory_space<vmem>>
      %dma_start3A_23 = tpu.memref_slice %arg2[%add3A_6] : memref<49152xi32, #tpu.memory_space<hbm>> -> memref<128xi32, #tpu.memory_space<hbm>>
      %dma_start3A_24 = arith.constant 0 : i32
      %dma_start3A_25 = tpu.memref_slice %arg5[%dma_start3A_24] : memref<384xi32, #tpu.memory_space<vmem>> -> memref<128xi32, #tpu.memory_space<vmem>>
      %dma_start3A_26 = tpu.memref_slice %arg2[%add3A_6] : memref<49152xi32, #tpu.memory_space<hbm>> -> memref<128xi32, #tpu.memory_space<hbm>>
      tpu.enqueue_dma source(%dma_start3A_26 : memref<128xi32, #tpu.memory_space<hbm>>) target(%dma_start3A_25 : memref<128xi32, #tpu.memory_space<vmem>>) target_semaphore(%run_scoped3A : memref<!tpu.dma_semaphore, #tpu.memory_space<semaphore_mem>>)
      %dma_wait3A = arith.constant 0 : i32
      %dma_wait3A_27 = tpu.memref_slice %arg5[%dma_wait3A] : memref<384xi32, #tpu.memory_space<vmem>> -> memref<128xi32, #tpu.memory_space<vmem>>
      %dma_wait3A_28 = tpu.memref_slice %arg2[%add3A_6] : memref<49152xi32, #tpu.memory_space<hbm>> -> memref<128xi32, #tpu.memory_space<hbm>>
      %dma_wait3A_29 = arith.constant 0 : i32
      %dma_wait3A_30 = tpu.memref_slice %arg5[%dma_wait3A_29] : memref<384xi32, #tpu.memory_space<vmem>> -> memref<128xi32, #tpu.memory_space<vmem>>
      %dma_wait3A_31 = tpu.memref_slice %arg2[%add3A_6] : memref<49152xi32, #tpu.memory_space<hbm>> -> memref<128xi32, #tpu.memory_space<hbm>>
      tpu.wait_dma2 semaphore(%run_scoped3A : memref<!tpu.dma_semaphore, #tpu.memory_space<semaphore_mem>>) src(%dma_wait3A_31 : memref<128xi32, #tpu.memory_space<hbm>>) dst(%dma_wait3A_30 : memref<128xi32, #tpu.memory_space<vmem>>)
      tpu.yield
    }) : () -> ()
    %add3A_7 = arith.constant 16384 : i32
    %add3A_8 = arith.addi %add3A_7, %add3A_6 : i32
    "tpu.region"() ({
      %run_scoped3A = tpu.sem_alloc : memref<!tpu.dma_semaphore, #tpu.memory_space<semaphore_mem>>
      %dma_start3A_21 = arith.constant 128 : i32
      %dma_start3A_22 = tpu.memref_slice %arg5[%dma_start3A_21] : memref<384xi32, #tpu.memory_space<vmem>> -> memref<128xi32, #tpu.memory_space<vmem>>
      %dma_start3A_23 = tpu.memref_slice %arg2[%add3A_8] : memref<49152xi32, #tpu.memory_space<hbm>> -> memref<128xi32, #tpu.memory_space<hbm>>
      %dma_start3A_24 = arith.constant 128 : i32
      %dma_start3A_25 = tpu.memref_slice %arg5[%dma_start3A_24] : memref<384xi32, #tpu.memory_space<vmem>> -> memref<128xi32, #tpu.memory_space<vmem>>
      %dma_start3A_26 = tpu.memref_slice %arg2[%add3A_8] : memref<49152xi32, #tpu.memory_space<hbm>> -> memref<128xi32, #tpu.memory_space<hbm>>
      tpu.enqueue_dma source(%dma_start3A_26 : memref<128xi32, #tpu.memory_space<hbm>>) target(%dma_start3A_25 : memref<128xi32, #tpu.memory_space<vmem>>) target_semaphore(%run_scoped3A : memref<!tpu.dma_semaphore, #tpu.memory_space<semaphore_mem>>)
      %dma_wait3A = arith.constant 128 : i32
      %dma_wait3A_27 = tpu.memref_slice %arg5[%dma_wait3A] : memref<384xi32, #tpu.memory_space<vmem>> -> memref<128xi32, #tpu.memory_space<vmem>>
      %dma_wait3A_28 = tpu.memref_slice %arg2[%add3A_8] : memref<49152xi32, #tpu.memory_space<hbm>> -> memref<128xi32, #tpu.memory_space<hbm>>
      %dma_wait3A_29 = arith.constant 128 : i32
      %dma_wait3A_30 = tpu.memref_slice %arg5[%dma_wait3A_29] : memref<384xi32, #tpu.memory_space<vmem>> -> memref<128xi32, #tpu.memory_space<vmem>>
      %dma_wait3A_31 = tpu.memref_slice %arg2[%add3A_8] : memref<49152xi32, #tpu.memory_space<hbm>> -> memref<128xi32, #tpu.memory_space<hbm>>
      tpu.wait_dma2 semaphore(%run_scoped3A : memref<!tpu.dma_semaphore, #tpu.memory_space<semaphore_mem>>) src(%dma_wait3A_31 : memref<128xi32, #tpu.memory_space<hbm>>) dst(%dma_wait3A_30 : memref<128xi32, #tpu.memory_space<vmem>>)
      tpu.yield
    }) : () -> ()
    %add3A_9 = arith.constant 32768 : i32
    %add3A_10 = arith.addi %add3A_9, %add3A_6 : i32
    "tpu.region"() ({
      %run_scoped3A = tpu.sem_alloc : memref<!tpu.dma_semaphore, #tpu.memory_space<semaphore_mem>>
      %dma_start3A_21 = arith.constant 256 : i32
      %dma_start3A_22 = tpu.memref_slice %arg5[%dma_start3A_21] : memref<384xi32, #tpu.memory_space<vmem>> -> memref<128xi32, #tpu.memory_space<vmem>>
      %dma_start3A_23 = tpu.memref_slice %arg2[%add3A_10] : memref<49152xi32, #tpu.memory_space<hbm>> -> memref<128xi32, #tpu.memory_space<hbm>>
      %dma_start3A_24 = arith.constant 256 : i32
      %dma_start3A_25 = tpu.memref_slice %arg5[%dma_start3A_24] : memref<384xi32, #tpu.memory_space<vmem>> -> memref<128xi32, #tpu.memory_space<vmem>>
      %dma_start3A_26 = tpu.memref_slice %arg2[%add3A_10] : memref<49152xi32, #tpu.memory_space<hbm>> -> memref<128xi32, #tpu.memory_space<hbm>>
      tpu.enqueue_dma source(%dma_start3A_26 : memref<128xi32, #tpu.memory_space<hbm>>) target(%dma_start3A_25 : memref<128xi32, #tpu.memory_space<vmem>>) target_semaphore(%run_scoped3A : memref<!tpu.dma_semaphore, #tpu.memory_space<semaphore_mem>>)
      %dma_wait3A = arith.constant 256 : i32
      %dma_wait3A_27 = tpu.memref_slice %arg5[%dma_wait3A] : memref<384xi32, #tpu.memory_space<vmem>> -> memref<128xi32, #tpu.memory_space<vmem>>
      %dma_wait3A_28 = tpu.memref_slice %arg2[%add3A_10] : memref<49152xi32, #tpu.memory_space<hbm>> -> memref<128xi32, #tpu.memory_space<hbm>>
      %dma_wait3A_29 = arith.constant 256 : i32
      %dma_wait3A_30 = tpu.memref_slice %arg5[%dma_wait3A_29] : memref<384xi32, #tpu.memory_space<vmem>> -> memref<128xi32, #tpu.memory_space<vmem>>
      %dma_wait3A_31 = tpu.memref_slice %arg2[%add3A_10] : memref<49152xi32, #tpu.memory_space<hbm>> -> memref<128xi32, #tpu.memory_space<hbm>>
      tpu.wait_dma2 semaphore(%run_scoped3A : memref<!tpu.dma_semaphore, #tpu.memory_space<semaphore_mem>>) src(%dma_wait3A_31 : memref<128xi32, #tpu.memory_space<hbm>>) dst(%dma_wait3A_30 : memref<128xi32, #tpu.memory_space<vmem>>)
      tpu.yield
    }) : () -> ()
    %dma_start3A = arith.constant 0 : i32
    %dma_start3A_11 = arith.constant 0 : i32
    %dma_start3A_12 = tpu.memref_slice %arg3[%dma_start3A, %dma_start3A_11] : memref<100000x128xf32, #tpu.memory_space<hbm>> -> memref<100000x128xf32, #tpu.memory_space<hbm>>
    tpu.enqueue_indirect_dma source(%dma_start3A_12 : memref<100000x128xf32, #tpu.memory_space<hbm>>) target(%arg7 : memref<384x128xf32, #tpu.memory_space<vmem>>) offsets(%arg5 : memref<384xi32, #tpu.memory_space<vmem>>) semaphore(%arg10 : memref<!tpu.dma_semaphore, #tpu.memory_space<semaphore_mem>>)
    %scan3A = arith.constant 0 : i32
    %scan3A_13 = arith.constant 0 : i32
    %scan3A_14 = arith.constant 2 : i32
    %scan3A_15 = arith.addi %scan3A_13, %scan3A_14 : i32
    %scan3A_16 = arith.constant 1 : i32
    %scan3A_17 = scf.for %scan3A_21 = %scan3A_13 to %scan3A_15 step %scan3A_16 iter_args(%scan3A_22 = %scan3A) -> (i32)  : i32 {
      %mul3A_23 = arith.constant 2 : i32
      %mul3A_24 = arith.muli %scan3A_21, %mul3A_23 : i32
      %add3A_25 = arith.constant 0 : i32
      %add3A_26 = arith.addi %mul3A_24, %add3A_25 : i32
      %add3A_27 = arith.constant 1 : i32
      %add3A_28 = arith.addi %add3A_26, %add3A_27 : i32
      %lt3A = arith.constant 4 : i32
      %lt3A_29 = arith.cmpi slt, %add3A_28, %lt3A : i32
      %convert_element_type3A = arith.extui %lt3A_29 : i1 to i32
      %cond3A = arith.constant 0 : i32
      %cond3A_30 = arith.cmpi ne, %convert_element_type3A, %cond3A : i32
      scf.if %cond3A_30 {
        %add3A_62 = arith.constant 1 : i32
        %add3A_63 = arith.addi %add3A_26, %add3A_62 : i32
        %mul3A_64 = arith.constant 128 : i32
        %mul3A_65 = arith.muli %add3A_63, %mul3A_64 : i32
        %add3A_66 = arith.addi %mul3A_2, %mul3A_65 : i32
        "tpu.region"() ({
          %run_scoped3A = tpu.sem_alloc : memref<!tpu.dma_semaphore, #tpu.memory_space<semaphore_mem>>
          %dma_start3A_74 = arith.constant 0 : i32
          %dma_start3A_75 = tpu.memref_slice %arg6[%dma_start3A_74] : memref<384xi32, #tpu.memory_space<vmem>> -> memref<128xi32, #tpu.memory_space<vmem>>
          %dma_start3A_76 = tpu.memref_slice %arg2[%add3A_66] : memref<49152xi32, #tpu.memory_space<hbm>> -> memref<128xi32, #tpu.memory_space<hbm>>
          %dma_start3A_77 = arith.constant 0 : i32
          %dma_start3A_78 = tpu.memref_slice %arg6[%dma_start3A_77] : memref<384xi32, #tpu.memory_space<vmem>> -> memref<128xi32, #tpu.memory_space<vmem>>
          %dma_start3A_79 = tpu.memref_slice %arg2[%add3A_66] : memref<49152xi32, #tpu.memory_space<hbm>> -> memref<128xi32, #tpu.memory_space<hbm>>
          tpu.enqueue_dma source(%dma_start3A_79 : memref<128xi32, #tpu.memory_space<hbm>>) target(%dma_start3A_78 : memref<128xi32, #tpu.memory_space<vmem>>) target_semaphore(%run_scoped3A : memref<!tpu.dma_semaphore, #tpu.memory_space<semaphore_mem>>)
          %dma_wait3A_80 = arith.constant 0 : i32
          %dma_wait3A_81 = tpu.memref_slice %arg6[%dma_wait3A_80] : memref<384xi32, #tpu.memory_space<vmem>> -> memref<128xi32, #tpu.memory_space<vmem>>
          %dma_wait3A_82 = tpu.memref_slice %arg2[%add3A_66] : memref<49152xi32, #tpu.memory_space<hbm>> -> memref<128xi32, #tpu.memory_space<hbm>>
          %dma_wait3A_83 = arith.constant 0 : i32
          %dma_wait3A_84 = tpu.memref_slice %arg6[%dma_wait3A_83] : memref<384xi32, #tpu.memory_space<vmem>> -> memref<128xi32, #tpu.memory_space<vmem>>
          %dma_wait3A_85 = tpu.memref_slice %arg2[%add3A_66] : memref<49152xi32, #tpu.memory_space<hbm>> -> memref<128xi32, #tpu.memory_space<hbm>>
          tpu.wait_dma2 semaphore(%run_scoped3A : memref<!tpu.dma_semaphore, #tpu.memory_space<semaphore_mem>>) src(%dma_wait3A_85 : memref<128xi32, #tpu.memory_space<hbm>>) dst(%dma_wait3A_84 : memref<128xi32, #tpu.memory_space<vmem>>)
          tpu.yield
        }) : () -> ()
        %add3A_67 = arith.constant 16384 : i32
        %add3A_68 = arith.addi %add3A_67, %add3A_66 : i32
        "tpu.region"() ({
          %run_scoped3A = tpu.sem_alloc : memref<!tpu.dma_semaphore, #tpu.memory_space<semaphore_mem>>
          %dma_start3A_74 = arith.constant 128 : i32
          %dma_start3A_75 = tpu.memref_slice %arg6[%dma_start3A_74] : memref<384xi32, #tpu.memory_space<vmem>> -> memref<128xi32, #tpu.memory_space<vmem>>
          %dma_start3A_76 = tpu.memref_slice %arg2[%add3A_68] : memref<49152xi32, #tpu.memory_space<hbm>> -> memref<128xi32, #tpu.memory_space<hbm>>
          %dma_start3A_77 = arith.constant 128 : i32
          %dma_start3A_78 = tpu.memref_slice %arg6[%dma_start3A_77] : memref<384xi32, #tpu.memory_space<vmem>> -> memref<128xi32, #tpu.memory_space<vmem>>
          %dma_start3A_79 = tpu.memref_slice %arg2[%add3A_68] : memref<49152xi32, #tpu.memory_space<hbm>> -> memref<128xi32, #tpu.memory_space<hbm>>
          tpu.enqueue_dma source(%dma_start3A_79 : memref<128xi32, #tpu.memory_space<hbm>>) target(%dma_start3A_78 : memref<128xi32, #tpu.memory_space<vmem>>) target_semaphore(%run_scoped3A : memref<!tpu.dma_semaphore, #tpu.memory_space<semaphore_mem>>)
          %dma_wait3A_80 = arith.constant 128 : i32
          %dma_wait3A_81 = tpu.memref_slice %arg6[%dma_wait3A_80] : memref<384xi32, #tpu.memory_space<vmem>> -> memref<128xi32, #tpu.memory_space<vmem>>
          %dma_wait3A_82 = tpu.memref_slice %arg2[%add3A_68] : memref<49152xi32, #tpu.memory_space<hbm>> -> memref<128xi32, #tpu.memory_space<hbm>>
          %dma_wait3A_83 = arith.constant 128 : i32
          %dma_wait3A_84 = tpu.memref_slice %arg6[%dma_wait3A_83] : memref<384xi32, #tpu.memory_space<vmem>> -> memref<128xi32, #tpu.memory_space<vmem>>
          %dma_wait3A_85 = tpu.memref_slice %arg2[%add3A_68] : memref<49152xi32, #tpu.memory_space<hbm>> -> memref<128xi32, #tpu.memory_space<hbm>>
          tpu.wait_dma2 semaphore(%run_scoped3A : memref<!tpu.dma_semaphore, #tpu.memory_space<semaphore_mem>>) src(%dma_wait3A_85 : memref<128xi32, #tpu.memory_space<hbm>>) dst(%dma_wait3A_84 : memref<128xi32, #tpu.memory_space<vmem>>)
          tpu.yield
        }) : () -> ()
        %add3A_69 = arith.constant 32768 : i32
        %add3A_70 = arith.addi %add3A_69, %add3A_66 : i32
        "tpu.region"() ({
          %run_scoped3A = tpu.sem_alloc : memref<!tpu.dma_semaphore, #tpu.memory_space<semaphore_mem>>
          %dma_start3A_74 = arith.constant 256 : i32
          %dma_start3A_75 = tpu.memref_slice %arg6[%dma_start3A_74] : memref<384xi32, #tpu.memory_space<vmem>> -> memref<128xi32, #tpu.memory_space<vmem>>
          %dma_start3A_76 = tpu.memref_slice %arg2[%add3A_70] : memref<49152xi32, #tpu.memory_space<hbm>> -> memref<128xi32, #tpu.memory_space<hbm>>
          %dma_start3A_77 = arith.constant 256 : i32
          %dma_start3A_78 = tpu.memref_slice %arg6[%dma_start3A_77] : memref<384xi32, #tpu.memory_space<vmem>> -> memref<128xi32, #tpu.memory_space<vmem>>
          %dma_start3A_79 = tpu.memref_slice %arg2[%add3A_70] : memref<49152xi32, #tpu.memory_space<hbm>> -> memref<128xi32, #tpu.memory_space<hbm>>
          tpu.enqueue_dma source(%dma_start3A_79 : memref<128xi32, #tpu.memory_space<hbm>>) target(%dma_start3A_78 : memref<128xi32, #tpu.memory_space<vmem>>) target_semaphore(%run_scoped3A : memref<!tpu.dma_semaphore, #tpu.memory_space<semaphore_mem>>)
          %dma_wait3A_80 = arith.constant 256 : i32
          %dma_wait3A_81 = tpu.memref_slice %arg6[%dma_wait3A_80] : memref<384xi32, #tpu.memory_space<vmem>> -> memref<128xi32, #tpu.memory_space<vmem>>
          %dma_wait3A_82 = tpu.memref_slice %arg2[%add3A_70] : memref<49152xi32, #tpu.memory_space<hbm>> -> memref<128xi32, #tpu.memory_space<hbm>>
          %dma_wait3A_83 = arith.constant 256 : i32
          %dma_wait3A_84 = tpu.memref_slice %arg6[%dma_wait3A_83] : memref<384xi32, #tpu.memory_space<vmem>> -> memref<128xi32, #tpu.memory_space<vmem>>
          %dma_wait3A_85 = tpu.memref_slice %arg2[%add3A_70] : memref<49152xi32, #tpu.memory_space<hbm>> -> memref<128xi32, #tpu.memory_space<hbm>>
          tpu.wait_dma2 semaphore(%run_scoped3A : memref<!tpu.dma_semaphore, #tpu.memory_space<semaphore_mem>>) src(%dma_wait3A_85 : memref<128xi32, #tpu.memory_space<hbm>>) dst(%dma_wait3A_84 : memref<128xi32, #tpu.memory_space<vmem>>)
          tpu.yield
        }) : () -> ()
        %dma_start3A_71 = arith.constant 0 : i32
        %dma_start3A_72 = arith.constant 0 : i32
        %dma_start3A_73 = tpu.memref_slice %arg3[%dma_start3A_71, %dma_start3A_72] : memref<100000x128xf32, #tpu.memory_space<hbm>> -> memref<100000x128xf32, #tpu.memory_space<hbm>>
        tpu.enqueue_indirect_dma source(%dma_start3A_73 : memref<100000x128xf32, #tpu.memory_space<hbm>>) target(%arg8 : memref<384x128xf32, #tpu.memory_space<vmem>>) offsets(%arg6 : memref<384xi32, #tpu.memory_space<vmem>>) semaphore(%arg11 : memref<!tpu.dma_semaphore, #tpu.memory_space<semaphore_mem>>)
      } else {
      }
      %dma_wait3A = arith.constant 0 : i32
      %dma_wait3A_31 = arith.constant 0 : i32
      %dma_wait3A_32 = tpu.memref_slice %arg3[%dma_wait3A, %dma_wait3A_31] : memref<100000x128xf32, #tpu.memory_space<hbm>> -> memref<100000x128xf32, #tpu.memory_space<hbm>>
      tpu.wait_indirect_dma semaphore(%arg10 : memref<!tpu.dma_semaphore, #tpu.memory_space<semaphore_mem>>) src(%dma_wait3A_32 : memref<100000x128xf32, #tpu.memory_space<hbm>>) dst(%arg7 : memref<384x128xf32, #tpu.memory_space<vmem>>)
      %scan3A_33 = arith.constant 0 : i32
      %scan3A_34 = arith.constant 0 : i32
      %scan3A_35 = arith.constant 8 : i32
      %scan3A_36 = arith.addi %scan3A_34, %scan3A_35 : i32
      %scan3A_37 = arith.constant 1 : i32
      %scan3A_38 = scf.for %scan3A_62 = %scan3A_34 to %scan3A_36 step %scan3A_37 iter_args(%scan3A_63 = %scan3A_33) -> (i32)  : i32 {
        %broadcast_in_dim3A_64 = arith.constant 0.000000e+00 : f32
        %broadcast_in_dim3A_65 = vector.broadcast %broadcast_in_dim3A_64 : f32 to vector<16xf32>
        %scan3A_66 = arith.constant 0 : i32
        %scan3A_67 = arith.constant 16 : i32
        %scan3A_68 = arith.addi %scan3A_66, %scan3A_67 : i32
        %scan3A_69 = arith.constant 1 : i32
        %scan3A_70:2 = scf.for %scan3A_158 = %scan3A_66 to %scan3A_68 step %scan3A_69 iter_args(%scan3A_159 = %broadcast_in_dim3A_65, %scan3A_160 = %broadcast_in_dim3A_65) -> (vector<16xf32>, vector<16xf32>)  : i32 {
          %mul3A_161 = arith.constant 16 : i32
          %mul3A_162 = arith.muli %scan3A_62, %mul3A_161 : i32
          %add3A_163 = arith.addi %mul3A_162, %scan3A_158 : i32
          %broadcast_in_dim3A_164 = arith.constant 0.000000e+00 : f32
          %broadcast_in_dim3A_165 = vector.broadcast %broadcast_in_dim3A_164 : f32 to vector<16xf32>
          %scan3A_166 = arith.constant 0 : i32
          %scan3A_167 = arith.constant 8 : i32
          %scan3A_168 = arith.addi %scan3A_166, %scan3A_167 : i32
          %scan3A_169 = arith.constant 1 : i32
          %scan3A_170:2 = scf.for %scan3A_185 = %scan3A_166 to %scan3A_168 step %scan3A_169 iter_args(%scan3A_186 = %broadcast_in_dim3A_165, %scan3A_187 = %broadcast_in_dim3A_165) -> (vector<16xf32>, vector<16xf32>)  : i32 {
            %mul3A_188 = arith.constant 16 : i32
            %mul3A_189 = arith.muli %scan3A_185, %mul3A_188 : i32
            %get3A_190 = arith.index_cast %add3A_163 : i32 to index
            %get3A_191 = arith.index_cast %mul3A_189 : i32 to index
            %get3A_192 = tpu.vector_load %arg7[%get3A_190, %get3A_191] {strides = array<i32>} : memref<384x128xf32, #tpu.memory_space<vmem>>, vector<16xf32>,
            %add3A_193 = arith.constant 128 : i32
            %add3A_194 = arith.addi %add3A_193, %add3A_163 : i32
            %mul3A_195 = arith.constant 16 : i32
            %mul3A_196 = arith.muli %scan3A_185, %mul3A_195 : i32
            %get3A_197 = arith.index_cast %add3A_194 : i32 to index
            %get3A_198 = arith.index_cast %mul3A_196 : i32 to index
            %get3A_199 = tpu.vector_load %arg7[%get3A_197, %get3A_198] {strides = array<i32>} : memref<384x128xf32, #tpu.memory_space<vmem>>, vector<16xf32>,
            %add3A_200 = arith.constant 256 : i32
            %add3A_201 = arith.addi %add3A_200, %add3A_163 : i32
            %mul3A_202 = arith.constant 16 : i32
            %mul3A_203 = arith.muli %scan3A_185, %mul3A_202 : i32
            %get3A_204 = arith.index_cast %add3A_201 : i32 to index
            %get3A_205 = arith.index_cast %mul3A_203 : i32 to index
            %get3A_206 = tpu.vector_load %arg7[%get3A_204, %get3A_205] {strides = array<i32>} : memref<384x128xf32, #tpu.memory_space<vmem>>, vector<16xf32>,
            %sub3A_207 = arith.subf %get3A_192, %get3A_199 : vector<16xf32>
            %sub3A_208 = arith.subf %get3A_192, %get3A_206 : vector<16xf32>
            %mul3A_209 = arith.mulf %sub3A_207, %sub3A_207 : vector<16xf32>
            %add3A_210 = arith.addf %scan3A_186, %mul3A_209 : vector<16xf32>
            %mul3A_211 = arith.mulf %sub3A_208, %sub3A_208 : vector<16xf32>
            %add3A_212 = arith.addf %scan3A_187, %mul3A_211 : vector<16xf32>
            scf.yield %add3A_210, %add3A_212 : vector<16xf32>, vector<16xf32>
          }
          %scan3A_171 = arith.constant 8 : i32
          %eq3A = vector.broadcast %scan3A_158 : i32 to vector<16xi32>
          %eq3A_172 = arith.cmpi eq, %iota3A, %eq3A : vector<16xi32>
          %reduce_sum3A = arith.constant true
          %reduce_sum3A_173 = vector.broadcast %reduce_sum3A : i1 to vector<16xi1>
          %reduce_sum3A_174 = tpu.scan <sum>, %scan3A_170#0 masked %reduce_sum3A_173 : vector<16xf32>, vector<16xi1> -> vector<16xf32>
          %reduce_sum3A_175 = vector.extract %reduce_sum3A_174[15] : f32 from vector<16xf32>
          %broadcast_in_dim3A_176 = vector.broadcast %reduce_sum3A_175 : f32 to vector<16xf32>
          %select_n3A = arith.select %eq3A_172, %broadcast_in_dim3A_176, %scan3A_159 : vector<16xi1>, vector<16xf32>
          %eq3A_177 = vector.broadcast %scan3A_158 : i32 to vector<16xi32>
          %eq3A_178 = arith.cmpi eq, %iota3A, %eq3A_177 : vector<16xi32>
          %reduce_sum3A_179 = arith.constant true
          %reduce_sum3A_180 = vector.broadcast %reduce_sum3A_179 : i1 to vector<16xi1>
          %reduce_sum3A_181 = tpu.scan <sum>, %scan3A_170#1 masked %reduce_sum3A_180 : vector<16xf32>, vector<16xi1> -> vector<16xf32>
          %reduce_sum3A_182 = vector.extract %reduce_sum3A_181[15] : f32 from vector<16xf32>
          %broadcast_in_dim3A_183 = vector.broadcast %reduce_sum3A_182 : f32 to vector<16xf32>
          %select_n3A_184 = arith.select %eq3A_178, %broadcast_in_dim3A_183, %scan3A_160 : vector<16xi1>, vector<16xf32>
          scf.yield %select_n3A, %select_n3A_184 : vector<16xf32>, vector<16xf32>
        }
        %scan3A_71 = arith.constant 16 : i32
        %max3A = arith.constant 9.99999968E-21 : f32
        %max3A_72 = vector.broadcast %max3A : f32 to vector<16xf32>
        %max3A_73 = arith.maximumf %scan3A_70#0, %max3A_72 : vector<16xf32>
        %bitcast3A = vector.bitcast %max3A_73 : vector<16xf32> to vector<16xi32>
        %shift_right_logical3A = arith.constant 1 : i32
        %shift_right_logical3A_74 = vector.broadcast %shift_right_logical3A : i32 to vector<16xi32>
        %shift_right_logical3A_75 = arith.shrui %bitcast3A, %shift_right_logical3A_74 : vector<16xi32>
        %sub3A = arith.constant 1597463007 : i32
        %sub3A_76 = vector.broadcast %sub3A : i32 to vector<16xi32>
        %sub3A_77 = arith.subi %sub3A_76, %shift_right_logical3A_75 : vector<16xi32>
        %bitcast3A_78 = vector.bitcast %sub3A_77 : vector<16xi32> to vector<16xf32>
        %mul3A_79 = arith.constant 5.000000e-01 : f32
        %mul3A_80 = vector.broadcast %mul3A_79 : f32 to vector<16xf32>
        %mul3A_81 = arith.mulf %mul3A_80, %max3A_73 : vector<16xf32>
        %mul3A_82 = arith.mulf %mul3A_81, %bitcast3A_78 : vector<16xf32>
        %mul3A_83 = arith.mulf %mul3A_82, %bitcast3A_78 : vector<16xf32>
        %sub3A_84 = arith.constant 1.500000e+00 : f32
        %sub3A_85 = vector.broadcast %sub3A_84 : f32 to vector<16xf32>
        %sub3A_86 = arith.subf %sub3A_85, %mul3A_83 : vector<16xf32>
        %mul3A_87 = arith.mulf %bitcast3A_78, %sub3A_86 : vector<16xf32>
        %mul3A_88 = arith.constant 5.000000e-01 : f32
        %mul3A_89 = vector.broadcast %mul3A_88 : f32 to vector<16xf32>
        %mul3A_90 = arith.mulf %mul3A_89, %max3A_73 : vector<16xf32>
        %mul3A_91 = arith.mulf %mul3A_90, %mul3A_87 : vector<16xf32>
        %mul3A_92 = arith.mulf %mul3A_91, %mul3A_87 : vector<16xf32>
        %sub3A_93 = arith.constant 1.500000e+00 : f32
        %sub3A_94 = vector.broadcast %sub3A_93 : f32 to vector<16xf32>
        %sub3A_95 = arith.subf %sub3A_94, %mul3A_92 : vector<16xf32>
        %mul3A_96 = arith.mulf %mul3A_87, %sub3A_95 : vector<16xf32>
        %mul3A_97 = arith.constant 5.000000e-01 : f32
        %mul3A_98 = vector.broadcast %mul3A_97 : f32 to vector<16xf32>
        %mul3A_99 = arith.mulf %mul3A_98, %max3A_73 : vector<16xf32>
        %mul3A_100 = arith.mulf %mul3A_99, %mul3A_96 : vector<16xf32>
        %mul3A_101 = arith.mulf %mul3A_100, %mul3A_96 : vector<16xf32>
        %sub3A_102 = arith.constant 1.500000e+00 : f32
        %sub3A_103 = vector.broadcast %sub3A_102 : f32 to vector<16xf32>
        %sub3A_104 = arith.subf %sub3A_103, %mul3A_101 : vector<16xf32>
        %mul3A_105 = arith.mulf %mul3A_96, %sub3A_104 : vector<16xf32>
        %mul3A_106 = arith.mulf %scan3A_70#0, %mul3A_105 : vector<16xf32>
        %max3A_107 = arith.constant 9.99999968E-21 : f32
        %max3A_108 = vector.broadcast %max3A_107 : f32 to vector<16xf32>
        %max3A_109 = arith.maximumf %scan3A_70#1, %max3A_108 : vector<16xf32>
        %bitcast3A_110 = vector.bitcast %max3A_109 : vector<16xf32> to vector<16xi32>
        %shift_right_logical3A_111 = arith.constant 1 : i32
        %shift_right_logical3A_112 = vector.broadcast %shift_right_logical3A_111 : i32 to vector<16xi32>
        %shift_right_logical3A_113 = arith.shrui %bitcast3A_110, %shift_right_logical3A_112 : vector<16xi32>
        %sub3A_114 = arith.constant 1597463007 : i32
        %sub3A_115 = vector.broadcast %sub3A_114 : i32 to vector<16xi32>
        %sub3A_116 = arith.subi %sub3A_115, %shift_right_logical3A_113 : vector<16xi32>
        %bitcast3A_117 = vector.bitcast %sub3A_116 : vector<16xi32> to vector<16xf32>
        %mul3A_118 = arith.constant 5.000000e-01 : f32
        %mul3A_119 = vector.broadcast %mul3A_118 : f32 to vector<16xf32>
        %mul3A_120 = arith.mulf %mul3A_119, %max3A_109 : vector<16xf32>
        %mul3A_121 = arith.mulf %mul3A_120, %bitcast3A_117 : vector<16xf32>
        %mul3A_122 = arith.mulf %mul3A_121, %bitcast3A_117 : vector<16xf32>
        %sub3A_123 = arith.constant 1.500000e+00 : f32
        %sub3A_124 = vector.broadcast %sub3A_123 : f32 to vector<16xf32>
        %sub3A_125 = arith.subf %sub3A_124, %mul3A_122 : vector<16xf32>
        %mul3A_126 = arith.mulf %bitcast3A_117, %sub3A_125 : vector<16xf32>
        %mul3A_127 = arith.constant 5.000000e-01 : f32
        %mul3A_128 = vector.broadcast %mul3A_127 : f32 to vector<16xf32>
        %mul3A_129 = arith.mulf %mul3A_128, %max3A_109 : vector<16xf32>
        %mul3A_130 = arith.mulf %mul3A_129, %mul3A_126 : vector<16xf32>
        %mul3A_131 = arith.mulf %mul3A_130, %mul3A_126 : vector<16xf32>
        %sub3A_132 = arith.constant 1.500000e+00 : f32
        %sub3A_133 = vector.broadcast %sub3A_132 : f32 to vector<16xf32>
        %sub3A_134 = arith.subf %sub3A_133, %mul3A_131 : vector<16xf32>
        %mul3A_135 = arith.mulf %mul3A_126, %sub3A_134 : vector<16xf32>
        %mul3A_136 = arith.constant 5.000000e-01 : f32
        %mul3A_137 = vector.broadcast %mul3A_136 : f32 to vector<16xf32>
        %mul3A_138 = arith.mulf %mul3A_137, %max3A_109 : vector<16xf32>
        %mul3A_139 = arith.mulf %mul3A_138, %mul3A_135 : vector<16xf32>
        %mul3A_140 = arith.mulf %mul3A_139, %mul3A_135 : vector<16xf32>
        %sub3A_141 = arith.constant 1.500000e+00 : f32
        %sub3A_142 = vector.broadcast %sub3A_141 : f32 to vector<16xf32>
        %sub3A_143 = arith.subf %sub3A_142, %mul3A_140 : vector<16xf32>
        %mul3A_144 = arith.mulf %mul3A_135, %sub3A_143 : vector<16xf32>
        %mul3A_145 = arith.mulf %scan3A_70#1, %mul3A_144 : vector<16xf32>
        %sub3A_146 = arith.subf %mul3A_106, %mul3A_145 : vector<16xf32>
        %add3A_147 = arith.constant 2.000000e-01 : f32
        %add3A_148 = vector.broadcast %add3A_147 : f32 to vector<16xf32>
        %add3A_149 = arith.addf %sub3A_146, %add3A_148 : vector<16xf32>
        %max3A_150 = arith.constant 0.000000e+00 : f32
        %max3A_151 = vector.broadcast %max3A_150 : f32 to vector<16xf32>
        %max3A_152 = arith.maximumf %add3A_149, %max3A_151 : vector<16xf32>
        %get3A = arith.constant 0 : index
        %get3A_153 = tpu.vector_load %arg9[%get3A] {strides = array<i32>} : memref<16xf32, #tpu.memory_space<vmem>>, vector<16xf32>,
        %add3A_154 = arith.addf %get3A_153, %max3A_152 : vector<16xf32>
        %swap3A_155 = arith.constant 0 : index
        %swap3A_156 = tpu.vector_load %arg9[%swap3A_155] {strides = array<i32>} : memref<16xf32, #tpu.memory_space<vmem>>, vector<16xf32>,
        tpu.vector_store %arg9[%swap3A_155], %add3A_154 {strides = array<i32>} : memref<16xf32, #tpu.memory_space<vmem>>, vector<16xf32>,
        %scan3A_157 = arith.constant 0 : i32
        scf.yield %scan3A_157 : i32
      }
      %scan3A_39 = arith.constant 8 : i32
      %mul3A_40 = arith.constant 2 : i32
      %mul3A_41 = arith.muli %scan3A_21, %mul3A_40 : i32
      %add3A_42 = arith.constant 1 : i32
      %add3A_43 = arith.addi %mul3A_41, %add3A_42 : i32
      %add3A_44 = arith.constant 1 : i32
      %add3A_45 = arith.addi %add3A_43, %add3A_44 : i32
      %lt3A_46 = arith.constant 4 : i32
      %lt3A_47 = arith.cmpi slt, %add3A_45, %lt3A_46 : i32
      %convert_element_type3A_48 = arith.extui %lt3A_47 : i1 to i32
      %cond3A_49 = arith.constant 0 : i32
      %cond3A_50 = arith.cmpi ne, %convert_element_type3A_48, %cond3A_49 : i32
      scf.if %cond3A_50 {
        %add3A_62 = arith.constant 1 : i32
        %add3A_63 = arith.addi %add3A_43, %add3A_62 : i32
        %mul3A_64 = arith.constant 128 : i32
        %mul3A_65 = arith.muli %add3A_63, %mul3A_64 : i32
        %add3A_66 = arith.addi %mul3A_2, %mul3A_65 : i32
        "tpu.region"() ({
          %run_scoped3A = tpu.sem_alloc : memref<!tpu.dma_semaphore, #tpu.memory_space<semaphore_mem>>
          %dma_start3A_74 = arith.constant 0 : i32
          %dma_start3A_75 = tpu.memref_slice %arg5[%dma_start3A_74] : memref<384xi32, #tpu.memory_space<vmem>> -> memref<128xi32, #tpu.memory_space<vmem>>
          %dma_start3A_76 = tpu.memref_slice %arg2[%add3A_66] : memref<49152xi32, #tpu.memory_space<hbm>> -> memref<128xi32, #tpu.memory_space<hbm>>
          %dma_start3A_77 = arith.constant 0 : i32
          %dma_start3A_78 = tpu.memref_slice %arg5[%dma_start3A_77] : memref<384xi32, #tpu.memory_space<vmem>> -> memref<128xi32, #tpu.memory_space<vmem>>
          %dma_start3A_79 = tpu.memref_slice %arg2[%add3A_66] : memref<49152xi32, #tpu.memory_space<hbm>> -> memref<128xi32, #tpu.memory_space<hbm>>
          tpu.enqueue_dma source(%dma_start3A_79 : memref<128xi32, #tpu.memory_space<hbm>>) target(%dma_start3A_78 : memref<128xi32, #tpu.memory_space<vmem>>) target_semaphore(%run_scoped3A : memref<!tpu.dma_semaphore, #tpu.memory_space<semaphore_mem>>)
          %dma_wait3A_80 = arith.constant 0 : i32
          %dma_wait3A_81 = tpu.memref_slice %arg5[%dma_wait3A_80] : memref<384xi32, #tpu.memory_space<vmem>> -> memref<128xi32, #tpu.memory_space<vmem>>
          %dma_wait3A_82 = tpu.memref_slice %arg2[%add3A_66] : memref<49152xi32, #tpu.memory_space<hbm>> -> memref<128xi32, #tpu.memory_space<hbm>>
          %dma_wait3A_83 = arith.constant 0 : i32
          %dma_wait3A_84 = tpu.memref_slice %arg5[%dma_wait3A_83] : memref<384xi32, #tpu.memory_space<vmem>> -> memref<128xi32, #tpu.memory_space<vmem>>
          %dma_wait3A_85 = tpu.memref_slice %arg2[%add3A_66] : memref<49152xi32, #tpu.memory_space<hbm>> -> memref<128xi32, #tpu.memory_space<hbm>>
          tpu.wait_dma2 semaphore(%run_scoped3A : memref<!tpu.dma_semaphore, #tpu.memory_space<semaphore_mem>>) src(%dma_wait3A_85 : memref<128xi32, #tpu.memory_space<hbm>>) dst(%dma_wait3A_84 : memref<128xi32, #tpu.memory_space<vmem>>)
          tpu.yield
        }) : () -> ()
        %add3A_67 = arith.constant 16384 : i32
        %add3A_68 = arith.addi %add3A_67, %add3A_66 : i32
        "tpu.region"() ({
          %run_scoped3A = tpu.sem_alloc : memref<!tpu.dma_semaphore, #tpu.memory_space<semaphore_mem>>
          %dma_start3A_74 = arith.constant 128 : i32
          %dma_start3A_75 = tpu.memref_slice %arg5[%dma_start3A_74] : memref<384xi32, #tpu.memory_space<vmem>> -> memref<128xi32, #tpu.memory_space<vmem>>
          %dma_start3A_76 = tpu.memref_slice %arg2[%add3A_68] : memref<49152xi32, #tpu.memory_space<hbm>> -> memref<128xi32, #tpu.memory_space<hbm>>
          %dma_start3A_77 = arith.constant 128 : i32
          %dma_start3A_78 = tpu.memref_slice %arg5[%dma_start3A_77] : memref<384xi32, #tpu.memory_space<vmem>> -> memref<128xi32, #tpu.memory_space<vmem>>
          %dma_start3A_79 = tpu.memref_slice %arg2[%add3A_68] : memref<49152xi32, #tpu.memory_space<hbm>> -> memref<128xi32, #tpu.memory_space<hbm>>
          tpu.enqueue_dma source(%dma_start3A_79 : memref<128xi32, #tpu.memory_space<hbm>>) target(%dma_start3A_78 : memref<128xi32, #tpu.memory_space<vmem>>) target_semaphore(%run_scoped3A : memref<!tpu.dma_semaphore, #tpu.memory_space<semaphore_mem>>)
          %dma_wait3A_80 = arith.constant 128 : i32
          %dma_wait3A_81 = tpu.memref_slice %arg5[%dma_wait3A_80] : memref<384xi32, #tpu.memory_space<vmem>> -> memref<128xi32, #tpu.memory_space<vmem>>
          %dma_wait3A_82 = tpu.memref_slice %arg2[%add3A_68] : memref<49152xi32, #tpu.memory_space<hbm>> -> memref<128xi32, #tpu.memory_space<hbm>>
          %dma_wait3A_83 = arith.constant 128 : i32
          %dma_wait3A_84 = tpu.memref_slice %arg5[%dma_wait3A_83] : memref<384xi32, #tpu.memory_space<vmem>> -> memref<128xi32, #tpu.memory_space<vmem>>
          %dma_wait3A_85 = tpu.memref_slice %arg2[%add3A_68] : memref<49152xi32, #tpu.memory_space<hbm>> -> memref<128xi32, #tpu.memory_space<hbm>>
          tpu.wait_dma2 semaphore(%run_scoped3A : memref<!tpu.dma_semaphore, #tpu.memory_space<semaphore_mem>>) src(%dma_wait3A_85 : memref<128xi32, #tpu.memory_space<hbm>>) dst(%dma_wait3A_84 : memref<128xi32, #tpu.memory_space<vmem>>)
          tpu.yield
        }) : () -> ()
        %add3A_69 = arith.constant 32768 : i32
        %add3A_70 = arith.addi %add3A_69, %add3A_66 : i32
        "tpu.region"() ({
          %run_scoped3A = tpu.sem_alloc : memref<!tpu.dma_semaphore, #tpu.memory_space<semaphore_mem>>
          %dma_start3A_74 = arith.constant 256 : i32
          %dma_start3A_75 = tpu.memref_slice %arg5[%dma_start3A_74] : memref<384xi32, #tpu.memory_space<vmem>> -> memref<128xi32, #tpu.memory_space<vmem>>
          %dma_start3A_76 = tpu.memref_slice %arg2[%add3A_70] : memref<49152xi32, #tpu.memory_space<hbm>> -> memref<128xi32, #tpu.memory_space<hbm>>
          %dma_start3A_77 = arith.constant 256 : i32
          %dma_start3A_78 = tpu.memref_slice %arg5[%dma_start3A_77] : memref<384xi32, #tpu.memory_space<vmem>> -> memref<128xi32, #tpu.memory_space<vmem>>
          %dma_start3A_79 = tpu.memref_slice %arg2[%add3A_70] : memref<49152xi32, #tpu.memory_space<hbm>> -> memref<128xi32, #tpu.memory_space<hbm>>
          tpu.enqueue_dma source(%dma_start3A_79 : memref<128xi32, #tpu.memory_space<hbm>>) target(%dma_start3A_78 : memref<128xi32, #tpu.memory_space<vmem>>) target_semaphore(%run_scoped3A : memref<!tpu.dma_semaphore, #tpu.memory_space<semaphore_mem>>)
          %dma_wait3A_80 = arith.constant 256 : i32
          %dma_wait3A_81 = tpu.memref_slice %arg5[%dma_wait3A_80] : memref<384xi32, #tpu.memory_space<vmem>> -> memref<128xi32, #tpu.memory_space<vmem>>
          %dma_wait3A_82 = tpu.memref_slice %arg2[%add3A_70] : memref<49152xi32, #tpu.memory_space<hbm>> -> memref<128xi32, #tpu.memory_space<hbm>>
          %dma_wait3A_83 = arith.constant 256 : i32
          %dma_wait3A_84 = tpu.memref_slice %arg5[%dma_wait3A_83] : memref<384xi32, #tpu.memory_space<vmem>> -> memref<128xi32, #tpu.memory_space<vmem>>
          %dma_wait3A_85 = tpu.memref_slice %arg2[%add3A_70] : memref<49152xi32, #tpu.memory_space<hbm>> -> memref<128xi32, #tpu.memory_space<hbm>>
          tpu.wait_dma2 semaphore(%run_scoped3A : memref<!tpu.dma_semaphore, #tpu.memory_space<semaphore_mem>>) src(%dma_wait3A_85 : memref<128xi32, #tpu.memory_space<hbm>>) dst(%dma_wait3A_84 : memref<128xi32, #tpu.memory_space<vmem>>)
          tpu.yield
        }) : () -> ()
        %dma_start3A_71 = arith.constant 0 : i32
        %dma_start3A_72 = arith.constant 0 : i32
        %dma_start3A_73 = tpu.memref_slice %arg3[%dma_start3A_71, %dma_start3A_72] : memref<100000x128xf32, #tpu.memory_space<hbm>> -> memref<100000x128xf32, #tpu.memory_space<hbm>>
        tpu.enqueue_indirect_dma source(%dma_start3A_73 : memref<100000x128xf32, #tpu.memory_space<hbm>>) target(%arg7 : memref<384x128xf32, #tpu.memory_space<vmem>>) offsets(%arg5 : memref<384xi32, #tpu.memory_space<vmem>>) semaphore(%arg10 : memref<!tpu.dma_semaphore, #tpu.memory_space<semaphore_mem>>)
      } else {
      }
      %dma_wait3A_51 = arith.constant 0 : i32
      %dma_wait3A_52 = arith.constant 0 : i32
      %dma_wait3A_53 = tpu.memref_slice %arg3[%dma_wait3A_51, %dma_wait3A_52] : memref<100000x128xf32, #tpu.memory_space<hbm>> -> memref<100000x128xf32, #tpu.memory_space<hbm>>
      tpu.wait_indirect_dma semaphore(%arg11 : memref<!tpu.dma_semaphore, #tpu.memory_space<semaphore_mem>>) src(%dma_wait3A_53 : memref<100000x128xf32, #tpu.memory_space<hbm>>) dst(%arg8 : memref<384x128xf32, #tpu.memory_space<vmem>>)
      %scan3A_54 = arith.constant 0 : i32
      %scan3A_55 = arith.constant 0 : i32
      %scan3A_56 = arith.constant 8 : i32
      %scan3A_57 = arith.addi %scan3A_55, %scan3A_56 : i32
      %scan3A_58 = arith.constant 1 : i32
      %scan3A_59 = scf.for %scan3A_62 = %scan3A_55 to %scan3A_57 step %scan3A_58 iter_args(%scan3A_63 = %scan3A_54) -> (i32)  : i32 {
        %broadcast_in_dim3A_64 = arith.constant 0.000000e+00 : f32
        %broadcast_in_dim3A_65 = vector.broadcast %broadcast_in_dim3A_64 : f32 to vector<16xf32>
        %scan3A_66 = arith.constant 0 : i32
        %scan3A_67 = arith.constant 16 : i32
        %scan3A_68 = arith.addi %scan3A_66, %scan3A_67 : i32
        %scan3A_69 = arith.constant 1 : i32
        %scan3A_70:2 = scf.for %scan3A_158 = %scan3A_66 to %scan3A_68 step %scan3A_69 iter_args(%scan3A_159 = %broadcast_in_dim3A_65, %scan3A_160 = %broadcast_in_dim3A_65) -> (vector<16xf32>, vector<16xf32>)  : i32 {
          %mul3A_161 = arith.constant 16 : i32
          %mul3A_162 = arith.muli %scan3A_62, %mul3A_161 : i32
          %add3A_163 = arith.addi %mul3A_162, %scan3A_158 : i32
          %broadcast_in_dim3A_164 = arith.constant 0.000000e+00 : f32
          %broadcast_in_dim3A_165 = vector.broadcast %broadcast_in_dim3A_164 : f32 to vector<16xf32>
          %scan3A_166 = arith.constant 0 : i32
          %scan3A_167 = arith.constant 8 : i32
          %scan3A_168 = arith.addi %scan3A_166, %scan3A_167 : i32
          %scan3A_169 = arith.constant 1 : i32
          %scan3A_170:2 = scf.for %scan3A_185 = %scan3A_166 to %scan3A_168 step %scan3A_169 iter_args(%scan3A_186 = %broadcast_in_dim3A_165, %scan3A_187 = %broadcast_in_dim3A_165) -> (vector<16xf32>, vector<16xf32>)  : i32 {
            %mul3A_188 = arith.constant 16 : i32
            %mul3A_189 = arith.muli %scan3A_185, %mul3A_188 : i32
            %get3A_190 = arith.index_cast %add3A_163 : i32 to index
            %get3A_191 = arith.index_cast %mul3A_189 : i32 to index
            %get3A_192 = tpu.vector_load %arg8[%get3A_190, %get3A_191] {strides = array<i32>} : memref<384x128xf32, #tpu.memory_space<vmem>>, vector<16xf32>,
            %add3A_193 = arith.constant 128 : i32
            %add3A_194 = arith.addi %add3A_193, %add3A_163 : i32
            %mul3A_195 = arith.constant 16 : i32
            %mul3A_196 = arith.muli %scan3A_185, %mul3A_195 : i32
            %get3A_197 = arith.index_cast %add3A_194 : i32 to index
            %get3A_198 = arith.index_cast %mul3A_196 : i32 to index
            %get3A_199 = tpu.vector_load %arg8[%get3A_197, %get3A_198] {strides = array<i32>} : memref<384x128xf32, #tpu.memory_space<vmem>>, vector<16xf32>,
            %add3A_200 = arith.constant 256 : i32
            %add3A_201 = arith.addi %add3A_200, %add3A_163 : i32
            %mul3A_202 = arith.constant 16 : i32
            %mul3A_203 = arith.muli %scan3A_185, %mul3A_202 : i32
            %get3A_204 = arith.index_cast %add3A_201 : i32 to index
            %get3A_205 = arith.index_cast %mul3A_203 : i32 to index
            %get3A_206 = tpu.vector_load %arg8[%get3A_204, %get3A_205] {strides = array<i32>} : memref<384x128xf32, #tpu.memory_space<vmem>>, vector<16xf32>,
            %sub3A_207 = arith.subf %get3A_192, %get3A_199 : vector<16xf32>
            %sub3A_208 = arith.subf %get3A_192, %get3A_206 : vector<16xf32>
            %mul3A_209 = arith.mulf %sub3A_207, %sub3A_207 : vector<16xf32>
            %add3A_210 = arith.addf %scan3A_186, %mul3A_209 : vector<16xf32>
            %mul3A_211 = arith.mulf %sub3A_208, %sub3A_208 : vector<16xf32>
            %add3A_212 = arith.addf %scan3A_187, %mul3A_211 : vector<16xf32>
            scf.yield %add3A_210, %add3A_212 : vector<16xf32>, vector<16xf32>
          }
          %scan3A_171 = arith.constant 8 : i32
          %eq3A = vector.broadcast %scan3A_158 : i32 to vector<16xi32>
          %eq3A_172 = arith.cmpi eq, %iota3A, %eq3A : vector<16xi32>
          %reduce_sum3A = arith.constant true
          %reduce_sum3A_173 = vector.broadcast %reduce_sum3A : i1 to vector<16xi1>
          %reduce_sum3A_174 = tpu.scan <sum>, %scan3A_170#0 masked %reduce_sum3A_173 : vector<16xf32>, vector<16xi1> -> vector<16xf32>
          %reduce_sum3A_175 = vector.extract %reduce_sum3A_174[15] : f32 from vector<16xf32>
          %broadcast_in_dim3A_176 = vector.broadcast %reduce_sum3A_175 : f32 to vector<16xf32>
          %select_n3A = arith.select %eq3A_172, %broadcast_in_dim3A_176, %scan3A_159 : vector<16xi1>, vector<16xf32>
          %eq3A_177 = vector.broadcast %scan3A_158 : i32 to vector<16xi32>
          %eq3A_178 = arith.cmpi eq, %iota3A, %eq3A_177 : vector<16xi32>
          %reduce_sum3A_179 = arith.constant true
          %reduce_sum3A_180 = vector.broadcast %reduce_sum3A_179 : i1 to vector<16xi1>
          %reduce_sum3A_181 = tpu.scan <sum>, %scan3A_170#1 masked %reduce_sum3A_180 : vector<16xf32>, vector<16xi1> -> vector<16xf32>
          %reduce_sum3A_182 = vector.extract %reduce_sum3A_181[15] : f32 from vector<16xf32>
          %broadcast_in_dim3A_183 = vector.broadcast %reduce_sum3A_182 : f32 to vector<16xf32>
          %select_n3A_184 = arith.select %eq3A_178, %broadcast_in_dim3A_183, %scan3A_160 : vector<16xi1>, vector<16xf32>
          scf.yield %select_n3A, %select_n3A_184 : vector<16xf32>, vector<16xf32>
        }
        %scan3A_71 = arith.constant 16 : i32
        %max3A = arith.constant 9.99999968E-21 : f32
        %max3A_72 = vector.broadcast %max3A : f32 to vector<16xf32>
        %max3A_73 = arith.maximumf %scan3A_70#0, %max3A_72 : vector<16xf32>
        %bitcast3A = vector.bitcast %max3A_73 : vector<16xf32> to vector<16xi32>
        %shift_right_logical3A = arith.constant 1 : i32
        %shift_right_logical3A_74 = vector.broadcast %shift_right_logical3A : i32 to vector<16xi32>
        %shift_right_logical3A_75 = arith.shrui %bitcast3A, %shift_right_logical3A_74 : vector<16xi32>
        %sub3A = arith.constant 1597463007 : i32
        %sub3A_76 = vector.broadcast %sub3A : i32 to vector<16xi32>
        %sub3A_77 = arith.subi %sub3A_76, %shift_right_logical3A_75 : vector<16xi32>
        %bitcast3A_78 = vector.bitcast %sub3A_77 : vector<16xi32> to vector<16xf32>
        %mul3A_79 = arith.constant 5.000000e-01 : f32
        %mul3A_80 = vector.broadcast %mul3A_79 : f32 to vector<16xf32>
        %mul3A_81 = arith.mulf %mul3A_80, %max3A_73 : vector<16xf32>
        %mul3A_82 = arith.mulf %mul3A_81, %bitcast3A_78 : vector<16xf32>
        %mul3A_83 = arith.mulf %mul3A_82, %bitcast3A_78 : vector<16xf32>
        %sub3A_84 = arith.constant 1.500000e+00 : f32
        %sub3A_85 = vector.broadcast %sub3A_84 : f32 to vector<16xf32>
        %sub3A_86 = arith.subf %sub3A_85, %mul3A_83 : vector<16xf32>
        %mul3A_87 = arith.mulf %bitcast3A_78, %sub3A_86 : vector<16xf32>
        %mul3A_88 = arith.constant 5.000000e-01 : f32
        %mul3A_89 = vector.broadcast %mul3A_88 : f32 to vector<16xf32>
        %mul3A_90 = arith.mulf %mul3A_89, %max3A_73 : vector<16xf32>
        %mul3A_91 = arith.mulf %mul3A_90, %mul3A_87 : vector<16xf32>
        %mul3A_92 = arith.mulf %mul3A_91, %mul3A_87 : vector<16xf32>
        %sub3A_93 = arith.constant 1.500000e+00 : f32
        %sub3A_94 = vector.broadcast %sub3A_93 : f32 to vector<16xf32>
        %sub3A_95 = arith.subf %sub3A_94, %mul3A_92 : vector<16xf32>
        %mul3A_96 = arith.mulf %mul3A_87, %sub3A_95 : vector<16xf32>
        %mul3A_97 = arith.constant 5.000000e-01 : f32
        %mul3A_98 = vector.broadcast %mul3A_97 : f32 to vector<16xf32>
        %mul3A_99 = arith.mulf %mul3A_98, %max3A_73 : vector<16xf32>
        %mul3A_100 = arith.mulf %mul3A_99, %mul3A_96 : vector<16xf32>
        %mul3A_101 = arith.mulf %mul3A_100, %mul3A_96 : vector<16xf32>
        %sub3A_102 = arith.constant 1.500000e+00 : f32
        %sub3A_103 = vector.broadcast %sub3A_102 : f32 to vector<16xf32>
        %sub3A_104 = arith.subf %sub3A_103, %mul3A_101 : vector<16xf32>
        %mul3A_105 = arith.mulf %mul3A_96, %sub3A_104 : vector<16xf32>
        %mul3A_106 = arith.mulf %scan3A_70#0, %mul3A_105 : vector<16xf32>
        %max3A_107 = arith.constant 9.99999968E-21 : f32
        %max3A_108 = vector.broadcast %max3A_107 : f32 to vector<16xf32>
        %max3A_109 = arith.maximumf %scan3A_70#1, %max3A_108 : vector<16xf32>
        %bitcast3A_110 = vector.bitcast %max3A_109 : vector<16xf32> to vector<16xi32>
        %shift_right_logical3A_111 = arith.constant 1 : i32
        %shift_right_logical3A_112 = vector.broadcast %shift_right_logical3A_111 : i32 to vector<16xi32>
        %shift_right_logical3A_113 = arith.shrui %bitcast3A_110, %shift_right_logical3A_112 : vector<16xi32>
        %sub3A_114 = arith.constant 1597463007 : i32
        %sub3A_115 = vector.broadcast %sub3A_114 : i32 to vector<16xi32>
        %sub3A_116 = arith.subi %sub3A_115, %shift_right_logical3A_113 : vector<16xi32>
        %bitcast3A_117 = vector.bitcast %sub3A_116 : vector<16xi32> to vector<16xf32>
        %mul3A_118 = arith.constant 5.000000e-01 : f32
        %mul3A_119 = vector.broadcast %mul3A_118 : f32 to vector<16xf32>
        %mul3A_120 = arith.mulf %mul3A_119, %max3A_109 : vector<16xf32>
        %mul3A_121 = arith.mulf %mul3A_120, %bitcast3A_117 : vector<16xf32>
        %mul3A_122 = arith.mulf %mul3A_121, %bitcast3A_117 : vector<16xf32>
        %sub3A_123 = arith.constant 1.500000e+00 : f32
        %sub3A_124 = vector.broadcast %sub3A_123 : f32 to vector<16xf32>
        %sub3A_125 = arith.subf %sub3A_124, %mul3A_122 : vector<16xf32>
        %mul3A_126 = arith.mulf %bitcast3A_117, %sub3A_125 : vector<16xf32>
        %mul3A_127 = arith.constant 5.000000e-01 : f32
        %mul3A_128 = vector.broadcast %mul3A_127 : f32 to vector<16xf32>
        %mul3A_129 = arith.mulf %mul3A_128, %max3A_109 : vector<16xf32>
        %mul3A_130 = arith.mulf %mul3A_129, %mul3A_126 : vector<16xf32>
        %mul3A_131 = arith.mulf %mul3A_130, %mul3A_126 : vector<16xf32>
        %sub3A_132 = arith.constant 1.500000e+00 : f32
        %sub3A_133 = vector.broadcast %sub3A_132 : f32 to vector<16xf32>
        %sub3A_134 = arith.subf %sub3A_133, %mul3A_131 : vector<16xf32>
        %mul3A_135 = arith.mulf %mul3A_126, %sub3A_134 : vector<16xf32>
        %mul3A_136 = arith.constant 5.000000e-01 : f32
        %mul3A_137 = vector.broadcast %mul3A_136 : f32 to vector<16xf32>
        %mul3A_138 = arith.mulf %mul3A_137, %max3A_109 : vector<16xf32>
        %mul3A_139 = arith.mulf %mul3A_138, %mul3A_135 : vector<16xf32>
        %mul3A_140 = arith.mulf %mul3A_139, %mul3A_135 : vector<16xf32>
        %sub3A_141 = arith.constant 1.500000e+00 : f32
        %sub3A_142 = vector.broadcast %sub3A_141 : f32 to vector<16xf32>
        %sub3A_143 = arith.subf %sub3A_142, %mul3A_140 : vector<16xf32>
        %mul3A_144 = arith.mulf %mul3A_135, %sub3A_143 : vector<16xf32>
        %mul3A_145 = arith.mulf %scan3A_70#1, %mul3A_144 : vector<16xf32>
        %sub3A_146 = arith.subf %mul3A_106, %mul3A_145 : vector<16xf32>
        %add3A_147 = arith.constant 2.000000e-01 : f32
        %add3A_148 = vector.broadcast %add3A_147 : f32 to vector<16xf32>
        %add3A_149 = arith.addf %sub3A_146, %add3A_148 : vector<16xf32>
        %max3A_150 = arith.constant 0.000000e+00 : f32
        %max3A_151 = vector.broadcast %max3A_150 : f32 to vector<16xf32>
        %max3A_152 = arith.maximumf %add3A_149, %max3A_151 : vector<16xf32>
        %get3A = arith.constant 0 : index
        %get3A_153 = tpu.vector_load %arg9[%get3A] {strides = array<i32>} : memref<16xf32, #tpu.memory_space<vmem>>, vector<16xf32>,
        %add3A_154 = arith.addf %get3A_153, %max3A_152 : vector<16xf32>
        %swap3A_155 = arith.constant 0 : index
        %swap3A_156 = tpu.vector_load %arg9[%swap3A_155] {strides = array<i32>} : memref<16xf32, #tpu.memory_space<vmem>>, vector<16xf32>,
        tpu.vector_store %arg9[%swap3A_155], %add3A_154 {strides = array<i32>} : memref<16xf32, #tpu.memory_space<vmem>>, vector<16xf32>,
        %scan3A_157 = arith.constant 0 : i32
        scf.yield %scan3A_157 : i32
      }
      %scan3A_60 = arith.constant 8 : i32
      %scan3A_61 = arith.constant 0 : i32
      scf.yield %scan3A_61 : i32
    }
    %scan3A_18 = arith.constant 2 : i32
    %mul3A_19 = arith.constant 16 : i32
    %mul3A_20 = arith.muli %add3A, %mul3A_19 : i32
    "tpu.region"() ({
      %run_scoped3A = tpu.sem_alloc : memref<!tpu.dma_semaphore, #tpu.memory_space<semaphore_mem>>
      %dma_start3A_21 = tpu.memref_slice %arg4[%mul3A_20] : memref<512xf32, #tpu.memory_space<hbm>> -> memref<16xf32, #tpu.memory_space<hbm>>
      %dma_start3A_22 = tpu.memref_slice %arg4[%mul3A_20] : memref<512xf32, #tpu.memory_space<hbm>> -> memref<16xf32, #tpu.memory_space<hbm>>
      tpu.enqueue_dma source(%arg9 : memref<16xf32, #tpu.memory_space<vmem>>) target(%dma_start3A_22 : memref<16xf32, #tpu.memory_space<hbm>>) target_semaphore(%run_scoped3A : memref<!tpu.dma_semaphore, #tpu.memory_space<semaphore_mem>>)
      %dma_wait3A = tpu.memref_slice %arg4[%mul3A_20] : memref<512xf32, #tpu.memory_space<hbm>> -> memref<16xf32, #tpu.memory_space<hbm>>
      %dma_wait3A_23 = tpu.memref_slice %arg4[%mul3A_20] : memref<512xf32, #tpu.memory_space<hbm>> -> memref<16xf32, #tpu.memory_space<hbm>>
      tpu.wait_dma2 semaphore(%run_scoped3A : memref<!tpu.dma_semaphore, #tpu.memory_space<semaphore_mem>>) src(%arg9 : memref<16xf32, #tpu.memory_space<vmem>>) dst(%dma_wait3A_23 : memref<16xf32, #tpu.memory_space<hbm>>)
      tpu.yield
    }) : () -> ()
    return
  }
}

module attributes {stable_mosaic.version = 14 : i64} {
  func.func @_tc_finish_body(%arg0: memref<512xf32, #tpu.memory_space<vmem>>, %arg1: memref<1x1xf32, #tpu.memory_space<smem>>) attributes {dimension_semantics = [], scalar_prefetch = 0 : i64, scratch_operands = 0 : i64, tpu.core_type = #tpu.core_type<tc>} {
    %get3A = arith.constant 0 : index
    %get3A_0 = vector.load %arg0[%get3A] : memref<512xf32, #tpu.memory_space<vmem>>, vector<512xf32>
    %reduce_sum3A = vector.shape_cast %get3A_0 : vector<512xf32> to vector<1x512xf32>
    %reduce_sum3A_1 = arith.constant dense<0.000000e+00> : vector<1xf32>
    %reduce_sum3A_2 = vector.multi_reduction <add>, %reduce_sum3A, %reduce_sum3A_1 [1] : vector<1x512xf32> to vector<1xf32>
    %reduce_sum3A_3 = vector.shape_cast %reduce_sum3A_2 : vector<1xf32> to vector<1x1xf32>
    %reduce_sum3A_4 = vector.extract %reduce_sum3A_3[0, 0] : f32 from vector<1x1xf32>
    %mul3A = arith.constant 6.10351563E-5 : f32
    %mul3A_5 = arith.mulf %reduce_sum3A_4, %mul3A : f32
    %swap3A = arith.constant 0 : index
    %swap3A_6 = arith.constant 0 : index
    %swap3A_7 = memref.load %arg1[%swap3A, %swap3A_6] : memref<1x1xf32, #tpu.memory_space<smem>>
    memref.store %mul3A_5, %arg1[%swap3A, %swap3A_6] : memref<1x1xf32, #tpu.memory_space<smem>>
    return
  }
}

</mosaic_0001>

<sc_bundles>
// kernel: kernel.4.cloned.1.call-start
scs
__scs_entry_jumppad:
0x0: {  	(pc) =	sbr.rel $0x88, $3  }
0x1: {  	(tag) =	ssettag $0x0;
	lr =	simm.s32 $0x1  }
0x2: {  	[smem:$0x3F9F] =	sst lr;
	_ =	strace $0xD0000000  }
0x3: {  	_ = 	snop  }
0x4: {  	_ = 	snop  }
0x5: {  	_ = 	snop  }
0x6: {  	_ = 	snop  }
0x7: {  	_ = 	snop  }
__scs_overlays_trampoline_lowered:
0x8: {  	[smem:$0x3FAE] =	sst s0  }
0x9: {  	[smem:$0x3FAF] =	sst s1  }
0xa: {  	[smem:$0x3FB0] =	sst s2  }
0xb: {  	[smem:$0x3FB1] =	sst s3  }
0xc: {  	[smem:$0x3FB2] =	sst s4  }
0xd: {  	[smem:$0x3FB3] =	sst s5  }
0xe: {  	[smem:$0x3FB4] =	sst s6  }
0xf: {  	[smem:$0x3FB5] =	sst s7  }
0x10: {  	[smem:$0x3FB6] =	sst s8  }
0x11: {  	[smem:$0x3FB7] =	sst s9;
	s0 =	simm.s32 @!p0 $0x0  }
0x12: {  	s1 =	sld [smem:$0x3F9D];
	s0 =	simm.s32 @p0 $0x1  }
0x13: {  	[smem:$0x3FB8] =	sst s0;
	s0 =	simm.s32 @!p1 $0x0  }
0x14: {  	s2 =	sld [smem:$0x3F9C];
	s0 =	simm.s32 @p1 $0x1  }
0x15: {  	[smem:$0x3FB9] =	sst s0;
	s0 =	simm.s32 @!p2 $0x0  }
0x16: {  	s3 =	sld [smem:$0x3FDB];
	s0 =	simm.s32 @p2 $0x1  }
0x17: {  	s4 =	simm.s32 $0x1BF5;
	[smem:$0x3FBB] =	sst s0  }
0x18: {  	s0 =	sld [smem:$0x3F9E];
	_ =	swait.ge [sflag:s4], $0x0  }
0x19: {  	s7 =	sld [smem:$0x3F9F]  }
0x1a: {  	s8 =	sadd.s32 $0xFFFFE003, lr  }
0x1b: {  	s9 =	sadd.s32 $0xFFFFFEF7, lr;
	s5 =	simm.s32 $0xFFFFFFFF;
	p2 =	slt.u32 s8, $0xFFFFF086  }
0x1c: {  	p1 =	slt.u32 s9, $0xF7A;
	s5 =	simm.s32 @!p2 $0x0  }
0x1d: {  	s5 =	simm.s32 @p1 $0x1;
	p0 =	seq.s32 s7, s2  }
0x1e: {  	s7 =	smul.u32 @!p0 $0xF7A, s2;
	p2 =	seq.s32 @!p0 s5, $0x0  }
0x1f: {  	s9 =	smul.u32 $0xF7A, s1;
	s8 =	simm.s32 @!p0 $0x1BF5;
	p2 =	por !p2, p0  }
0x20: {  	[sflag:s8] =	ssyncset.s32 @!p0 $0xFFFFF086;
	s6 =	sadd.s32 @!p0 s3, s7;
	s7 =	simm.s32 @!p0 $0x108  }
0x21: {  	s3 =	sadd.s32 s3, s9;
	s6 =	sadd.s32 @!p0 $0x88, s6;
	s7 =	simm.s32 @p2 $0x1082  }
0x22: {  	[simem:s7], [sflag:s8] =	dma.local @!p0 [hbm:s6], $0xF7A  }
0x23: {  	s9 =	sor.u32 $0xD0000000, s2;
	s6 =	simm.s32 $0x108;
	_ =	swait.ge @!p0 [sflag:s8], $0x0  }
0x24: {  	s3 =	sadd.s32 $0x88, s3;
	s6 =	simm.s32 @!p1 $0x1082;
	[sflag:s4] =	ssyncset.s32 $0xFFFFF086  }
0x25: {  	[simem:s6], [sflag:s4] =	dma.local [hbm:s3], $0xF7A  }
0x26: {  	[smem:$0x3F9F] =	sst s1;
	(tag) =	ssettag s2;
	_ =	strace s9  }
0x27: {  	s1 =	sld [smem:$0x3FAF]  }
0x28: {  	s2 =	sld [smem:$0x3FB0]  }
0x29: {  	s4 =	sld [smem:$0x3FB2]  }
0x2a: {  	p0 =	seq.s32 s5, $0x0;
	s5 =	sld [smem:$0x3FB3]  }
0x2b: {  	s6 =	sld [smem:$0x3FB4]  }
0x2c: {  	s7 =	sld [smem:$0x3FB5]  }
0x2d: {  	s3 =	simm.s32 $0x108;
	s8 =	sld [smem:$0x3FB6]  }
0x2e: {  	s3 =	simm.s32 @!p0 $0x1082;
	s9 =	sld [smem:$0x3FB7]  }
0x2f: {  	lr =	sadd.s32 s0, s3;
	s0 =	sld [smem:$0x3FAE]  }
0x30: {  	s3 =	sld [smem:$0x3FB1]  }
0x31: {  	[smem:$0x3FBA] =	sst s10  }
0x32: {  	s10 =	sld [smem:$0x3FB8];
	_ =	sdelay $0x3  }
0x33: {  	p0 =	seq.s32 s10, $0x1;
	s10 =	sld [smem:$0x3FBA];
	_ =	sdelay $0x3  }
0x34: {  	[smem:$0x3FBA] =	sst s10  }
0x35: {  	s10 =	sld [smem:$0x3FB9];
	_ =	sdelay $0x3  }
0x36: {  	p1 =	seq.s32 s10, $0x1;
	s10 =	sld [smem:$0x3FBA];
	_ =	sdelay $0x3  }
0x37: {  	[smem:$0x3FBA] =	sst s10  }
0x38: {  	s10 =	sld [smem:$0x3FBB]  }
0x39: {  	_ = 	snop;
	(pc) =	sbr.ind lr, $3  }
0x3a: {  	_ = 	snop  }
0x3b: {  	_ = 	snop  }
0x3c: {  	p2 =	seq.s32 s10, $0x1;
	s10 =	sld [smem:$0x3FBA]  }
0x3d: {  	_ =	shalt  }
0x3e: {  	_ =	shalt  }
0x3f: {  	_ =	shalt  }
0x40: {  	_ =	shalt  }
0x41: {  	_ =	shalt  }
0x42: {  	_ =	shalt  }
0x43: {  	_ =	shalt  }
0x44: {  	_ =	shalt  }
0x45: {  	_ =	shalt  }
0x46: {  	_ =	shalt  }
0x47: {  	_ =	shalt  }
0x48: {  	_ =	shalt  }
0x49: {  	_ =	shalt  }
0x4a: {  	_ =	shalt  }
0x4b: {  	_ =	shalt  }
0x4c: {  	_ =	shalt  }
0x4d: {  	_ =	shalt  }
0x4e: {  	_ =	shalt  }
0x4f: {  	_ =	shalt  }
0x50: {  	_ =	shalt  }
0x51: {  	_ =	shalt  }
0x52: {  	_ =	shalt  }
0x53: {  	_ =	shalt  }
0x54: {  	_ =	shalt  }
0x55: {  	_ =	shalt  }
0x56: {  	_ =	shalt  }
0x57: {  	_ =	shalt  }
0x58: {  	_ =	shalt  }
0x59: {  	_ =	shalt  }
0x5a: {  	_ =	shalt  }
0x5b: {  	_ =	shalt  }
0x5c: {  	_ =	shalt  }
0x5d: {  	_ =	shalt  }
0x5e: {  	_ =	shalt  }
0x5f: {  	_ =	shalt  }
0x60: {  	_ =	shalt  }
0x61: {  	_ =	shalt  }
0x62: {  	_ =	shalt  }
0x63: {  	_ =	shalt  }
0x64: {  	_ =	shalt  }
0x65: {  	_ =	shalt  }
0x66: {  	_ =	shalt  }
0x67: {  	_ =	shalt  }
0x68: {  	_ =	shalt  }
0x69: {  	_ =	shalt  }
0x6a: {  	_ =	shalt  }
0x6b: {  	_ =	shalt  }
0x6c: {  	_ =	shalt  }
0x6d: {  	_ =	shalt  }
0x6e: {  	_ =	shalt  }
0x6f: {  	_ =	shalt  }
0x70: {  	_ =	shalt  }
0x71: {  	_ =	shalt  }
0x72: {  	_ =	shalt  }
0x73: {  	_ =	shalt  }
0x74: {  	_ =	shalt  }
0x75: {  	_ =	shalt  }
0x76: {  	_ =	shalt  }
0x77: {  	_ =	shalt  }
0x78: {  	_ =	shalt  }
0x79: {  	_ =	shalt  }
0x7a: {  	_ =	shalt  }
0x7b: {  	_ =	shalt  }
0x7c: {  	_ =	shalt  }
0x7d: {  	_ =	shalt  }
0x7e: {  	_ =	shalt  }
0x7f: {  	_ =	shalt  }
0x80: {  	_ =	shalt  }
0x81: {  	_ =	shalt  }
0x82: {  	_ =	shalt  }
0x83: {  	_ =	shalt  }
0x84: {  	_ =	shalt  }
0x85: {  	_ =	shalt  }
0x86: {  	_ =	shalt  }
0x87: {  	_ =	shalt  }
.Lfunc_end0:
.L_simem_size_0:
called_computation_lowered:
.L_overlay_start_0:
0x88: {  	s2 =	sld [smem:$0x3FD9]  }
0x89: {  	s3 =	sld [smem:$0x3FFE];
	_ =	sdelay $0x1  }
0x8a: {  	s1 =	srdreg.scid  }
0x8b: {  	s0 =	sand.u32 $0x1, s1  }
0x8c: {  	s17 =	sshll.u32 s0, $0xA;
	s2 =	sadd.s32 s3, s2  }
0x8d: {  	s2 =	sadd.s32 s2, s17  }
0x8e: {  	[smem:$0x3FC6] =	sst s2  }
0x8f: {  	_ = 	snop  }
0x90: {  	s2 =	sld [smem:$0x3FC8];
	(tm) =	ssettm $0x1  }
0x91: {  	s18 =	sld [smem:$0x3FFB];
	_ =	sdelay $0x3  }
0x92: {  	_ =	strace s18  }
0x93: {  	s3 =	sld [smem:$0x3FFC];
	_ =	sdelay $0x3  }
0x94: {  	_ =	strace s3  }
0x95: {  	s3 =	sld [smem:$0x3FFD];
	_ =	sdelay $0x3  }
0x96: {  	_ =	strace s3  }
0x97: {  	_ =	strace $0x8FFFFFFF  }
0x98: {  	s19 =	sld [smem:$0x3FDB];
	_ =	sdelay $0x1  }
0x99: {  	s4 =	simm.s32 $_scs_section_size  }
0x9a: {  	s5 =	simm.s32 $_size__tile_overlayer_lowered;
	s6 =	simm.s32 $_tile_overlayer_lowered  }
0x9b: {  	s22 =	simm.s32 $0x1BFF;
	s21 =	sshll.u32 s6, $0x1;
	s3 =	sadd.s32 s4, s19  }
0x9c: {  	s7 =	simm.s32 $0x0;
	s20 =	sshll.u32 s5, $0x1;
	s5 =	sadd.s32 s21, s3  }
0x9d: {  	[timem:s7], [sflag:s22] =	dma.local [hbm:s5], s20  }
0x9e: {  	_ =	swait.ge [sflag:s22], s20  }
0x9f: {  	s4 =	ssub.s32 $0x0, s20;
	[sflag:s22] =	ssyncset.done $0x0  }
0xa0: {  	[sflag:s22] =	ssyncadd.s32 s4;
	_ =	sdelay $0x1  }
0xa1: {  	s23 =	simm.s32 $0x1B8B  }
0xa2: {  	_ =	swait.ge [sflag:s23], $0x1  }
0xa3: {  	[sflag:s23] =	ssyncset.done $0x0  }
0xa4: {  	s25 =	simm.s32 $0x1B8E;
	s24 =	sld [smem:$0x3FFE];
	[sflag:s23] =	ssyncadd.s32 $0xFFFFFFFF  }
0xa5: {  	s26 =	simm.s32 $execute0_lowered;
	[smem:$0x3FD2] =	sst s25  }
0xa6: {  	s5 =	sshll.u32 s26, $0x1;
	_ =	strace $0x80000046;
	[dreg:$0x1] =	wrdreg $0xFFFFFFFF  }
0xa7: {  	s28 =	simm.s32 $_size_execute0_lowered;
	s3 =	sadd.s32 s3, s5;
	[dreg:$0x0] =	wrdreg $0x0  }
0xa8: {  	s5 =	sshll.u32 s28, $0x1;
	[dreg:$0x2] =	wrdreg s3  }
0xa9: {  	[dreg:$0x3] =	wrdreg s5  }
0xaa: {  	[dreg:$0x4] =	wrdreg $0xC0  }
0xab: {  	_ =	task [dreg:s7], $0x5FFFF  }
0xac: {  	[dreg:$0x1] =	wrdreg $0xFFFFFFFF  }
0xad: {  	[dreg:$0x0] =	wrdreg $0x60  }
0xae: {  	[dreg:$0x2] =	wrdreg s24  }
0xaf: {  	[dreg:$0x3] =	wrdreg s2  }
0xb0: {  	[dreg:$0x4] =	wrdreg $0x9  }
0xb1: {  	_ =	task.clear_ibuf [dreg:s7], $0x5FFFF;
	_ =	strace $0x90000046  }
0xb2: {  	s29 =	simm.s32 $0x9;
	_ =	strace $0x80000048  }
0xb3: {  	_ =	swait.ge [sflag:s29], $0x1  }
0xb4: {  	[sflag:s29] =	ssyncadd.s32 $0xFFFFFFFF  }
0xb5: {  	_ =	strace $0x90000048  }
0xb6: {  	_ =	sfence  }
0xb7: {  	s30 =	sld [smem:$0x0];
	_ =	sdelay $0x2  }
0xb8: {  	s31 =	sshll.u32 s1, $0xD;
	s1 =	sshrl.u32 s1, $0x2  }
0xb9: {  	s3 =	sand.u32 $0x4000, s31;
	s1 =	sadd.s32 s1, s30  }
0xba: {  	s0 =	sor.u32 s3, s0;
	s1 =	sshll.u32 s1, $0x11  }
0xbb: {  	s0 =	sor.u32 s1, s0  }
0xbc: {  	s0 =	sadd.s32 $0x8F2B, s0  }
0xbd: {  	[sflag:s0] =	ssyncadd.remote.s32 $0x1  }
0xbe: {  	_ =	sfence.sel $0xFFFF  }
0xbf: {  	[dreg:$0x0] =	wrdreg $0xFFFFFFFF;
	(pc) =	sbr.abs _section_cstart, $3  }
0xc0: {  	[dreg:$0x1] =	wrdreg $0xFFFFFFFF  }
0xc1: {  	_ =	task.clear_ibuf [dreg:s7], $0x2FFFF;
	_ =	strace $0x9FFFFFFF  }
0xc2: {  	(tm) =	ssettm $0x7FFFFFFF  }
0xc3: {  	_ =	shalt  }
tec
execute0_lowered:
.L_overlay_start_1:
0x0: {  	(tag) =	ssettag $0x1  }
0x1: {  	s0 =	rddreg [dreg:$0x0]  }
0x2: {  	s2 =	rddreg [dreg:$0x1];
	s1 =	srdreg.scid  }
0x3: {  	s4 =	stileid.u32;
	s3 =	simm.s32 $0x0;
	s16 =	simm.s32 $0x3  }
0x4: {  	s18 =	simm.s32 $0x100;
	s19 =	simm.s32 $0x180;
	s20 =	simm.s32 $0x300  }
0x5: {  	s21 =	simm.s32 $0x200;
	s22 =	simm.s32 $0x280;
	s23 =	simm.s32 $0xC300  }
0x6: {  	s24 =	simm.s32 $0x1;
	s25 =	simm.s32 $0x2;
	s26 =	simm.s32 $0x18300  }
0x7: {  	s28 =	simm.s32 $0x0;
	s1 =	sand.u32 $0x1, s1;
	s4 =	sshll.u32 s4, $0x1  }
0x8: {  	[smem:$0x7FF] =	sst s3;
	s5 =	sor.u32 s1, s4;
	s1 =	ssub.s32 $0x2, s1  }
0x9: {  	_ =	strace $0x80000047;
	s4 =	sadd.s32 $0x600, s0;
	s6 =	sshll.u32 s5, $0x1  }
0xa: {  	s7 =	sshrl.u32 s1, $0x1;
	s10 =	sshll.u32 s5, $0x6;
	s5 =	sadd.s32 $0xE00, s0  }
0xb: {  	s14 =	sadd.s32 s6, s0;
	s1 =	ssub.s32 s1, s7;
	s6 =	sadd.s32 $0x1600, s0  }
0xc: {  	s7 =	sadd.s32 s4, s10;
	s8 =	sadd.s32 s10, s5;
	s9 =	sadd.s32 s10, s6  }
0xd: {  	s10 =	sor.u32 $0x10, s10;
	s11 =	sadd.s32 $0x20, s7;
	s12 =	sadd.s32 $0x820, s7  }
0xe: {  	v0 =	vimm.f32 $0.0e+00;
	v1 =	vlaneseq.u32;
	s13 =	sadd.s32 $0x1020, s7;
	s14 =	sadd.s32 $0x1E00, s14;
	s15 =	smax.u32 s1, $0x1  }
.LBB2_1:
0xf: {  	[tilespmem:$0x18300] =	vst v0  }
0x10: {  	[tilespmem:s3], [sflag:$0x3] =	stream.linear.gather [hbm4b:s7+s3], $0x80, $0x38;
	[tilespmem:$0x18380] =	vst v63  }
0x11: {  	_ =	swait.ge [sflag:s16], $0x80  }
0x12: {  	[sflag:s16] =	ssyncset.done $0x0  }
0x13: {  	s0 =	simm.s32 $0x80;
	[sflag:s16] =	ssyncadd.s32 $0xFFFFFF80  }
0x14: {  	[tilespmem:s0], [sflag:$0x3] =	stream.linear.gather [hbm4b:s8+s3], $0x80, $0x38;
	[tilespmem:$0x18380] =	vst v63  }
0x15: {  	_ =	swait.ge [sflag:s16], $0x80  }
0x16: {  	[sflag:s16] =	ssyncset.done $0x0  }
0x17: {  	[sflag:s16] =	ssyncadd.s32 $0xFFFFFF80  }
0x18: {  	[tilespmem:s18], [sflag:$0x3] =	stream.linear.gather [hbm4b:s9+s3], $0x80, $0x38;
	[tilespmem:$0x18380] =	vst v63  }
0x19: {  	_ =	swait.ge [sflag:s16], $0x80  }
0x1a: {  	[sflag:s16] =	ssyncset.done $0x0  }
0x1b: {  	p1 =	por $0x1, $0x1;
	s0 =	simm.s32 $0x0;
	[sflag:s16] =	ssyncadd.s32 $0xFFFFFF80  }
0x1c: {  	[tilespmem:s20], [sflag:$0x1] =	stream.indirect.gather [hbm4b:s2+s19], $0x80, s3, s19, $0xb8;
	[tilespmem:$0x18380] =	vst v63  }
.LBB2_2:
0x1d: {  	s0 =	sor.u32 s10, s0  }
0x1e: {  	s29 =	simm.s32 $0x0;
	s1 =	sadd.s32 s4, s0  }
0x1f: {  	[tilespmem:s19], [sflag:$0x3] =	stream.linear.gather [hbm4b:s1+s29], $0x80, $0x38;
	[tilespmem:$0x18380] =	vst v63  }
0x20: {  	_ =	swait.ge [sflag:s16], $0x80  }
0x21: {  	[sflag:s16] =	ssyncset.done $0x0  }
0x22: {  	s17 =	sadd.s32 s0, s5;
	[sflag:s16] =	ssyncadd.s32 $0xFFFFFF80  }
0x23: {  	[tilespmem:s21], [sflag:$0x3] =	stream.linear.gather [hbm4b:s17+s29], $0x80, $0x38;
	[tilespmem:$0x18380] =	vst v63  }
0x24: {  	_ =	swait.ge [sflag:s16], $0x80  }
0x25: {  	[sflag:s16] =	ssyncset.done $0x0  }
0x26: {  	s0 =	sadd.s32 s0, s6;
	[sflag:s16] =	ssyncadd.s32 $0xFFFFFF80  }
0x27: {  	[tilespmem:s22], [sflag:$0x3] =	stream.linear.gather [hbm4b:s0+s29], $0x80, $0x38;
	[tilespmem:$0x18380] =	vst v63  }
0x28: {  	_ =	swait.ge [sflag:s16], $0x80  }
0x29: {  	[sflag:s16] =	ssyncset.done $0x0  }
0x2a: {  	[sflag:s16] =	ssyncadd.s32 $0xFFFFFF80  }
0x2b: {  	[tilespmem:s23], [sflag:$0x2] =	stream.indirect.gather [hbm4b:s2+s19], $0x80, s19, s19, $0xb8;
	[tilespmem:$0x18380] =	vst v63  }
0x2c: {  	_ =	swait.ge [sflag:s24], $0xC000  }
0x2d: {  	[sflag:s24] =	ssyncset.done $0x0  }
0x2e: {  	[sflag:s24] =	ssyncadd.s32 $0xFFFF4000  }
0x2f: {  	p0 =	por p1, p1;
	s30 =	simm.s32 $0x300;
	s31 =	simm.s32 $0x0;
	v2 =	vld [tilespmem:$0x18300]  }
.LBB2_3:
0x30: {  	v3 =	vmov s30;
	_ =	sdelay $0x3  }
0x31: {  	s1 =	simm.s32 $0x0  }
0x32: {  	v4 =	vld.idx.msk [tilespmem:v3+s1+$0x0 ss:$0x1], $0xffff  }
0x33: {  	v5 =	vld.idx.msk [tilespmem:v3+s1+$0x8000 ss:$0x1], $0xffff  }
0x34: {  	v6 =	vld.idx.msk [tilespmem:v3+s1+$0x10 ss:$0x1], $0xffff  }
0x35: {  	v7 =	vld.idx.msk [tilespmem:v3+s1+$0x8010 ss:$0x1], $0xffff  }
0x36: {  	v8 =	vld.idx.msk [tilespmem:v3+s1+$0x20 ss:$0x1], $0xffff  }
0x37: {  	v9 =	vld.idx.msk [tilespmem:v3+s1+$0x8020 ss:$0x1], $0xffff  }
0x38: {  	v10 =	vld.idx.msk [tilespmem:v3+s1+$0x30 ss:$0x1], $0xffff  }
0x39: {  	v11 =	vld.idx.msk [tilespmem:v3+s1+$0x8030 ss:$0x1], $0xffff  }
0x3a: {  	v12 =	vld.idx.msk [tilespmem:v3+s1+$0x40 ss:$0x1], $0xffff  }
0x3b: {  	v13 =	vld.idx.msk [tilespmem:v3+s1+$0x8040 ss:$0x1], $0xffff  }
0x3c: {  	v14 =	vld.idx.msk [tilespmem:v3+s1+$0x50 ss:$0x1], $0xffff  }
0x3d: {  	v15 =	vld.idx.msk [tilespmem:v3+s1+$0x8050 ss:$0x1], $0xffff  }
0x3e: {  	v16 =	vld.idx.msk [tilespmem:v3+s1+$0x60 ss:$0x1], $0xffff  }
0x3f: {  	v17 =	vld.idx.msk [tilespmem:v3+s1+$0x8060 ss:$0x1], $0xffff  }
0x40: {  	v18 =	vld.idx.msk [tilespmem:v3+s1+$0x70 ss:$0x1], $0xffff;
	v5 =	vsub.f32 v4, v5;
	v7 =	vsub.f32 v6, v7  }
0x41: {  	v19 =	vld.idx.msk [tilespmem:v3+s1+$0x8070 ss:$0x1], $0xffff  }
0x42: {  	v20 =	vld.idx.msk [tilespmem:v3+s1+$0x4000 ss:$0x1], $0xffff;
	v9 =	vsub.f32 v8, v9;
	v5 =	vmul.f32 v5, v5;
	v7 =	vmul.f32 v7, v7  }
0x43: {  	v21 =	vld.idx.msk [tilespmem:v3+s1+$0x4010 ss:$0x1], $0xffff  }
0x44: {  	v22 =	vld.idx.msk [tilespmem:v3+s1+$0x4020 ss:$0x1], $0xffff;
	v5 =	vadd.f32 v7, v5;
	v7 =	vmul.f32 v9, v9;
	v9 =	vsub.f32 v10, v11  }
0x45: {  	v23 =	vld.idx.msk [tilespmem:v3+s1+$0x4030 ss:$0x1], $0xffff  }
0x46: {  	v24 =	vld.idx.msk [tilespmem:v3+s1+$0x4050 ss:$0x1], $0xffff;
	v5 =	vadd.f32 v7, v5;
	v7 =	vmul.f32 v9, v9;
	v9 =	vsub.f32 v12, v13  }
0x47: {  	s0 =	simm.s32 $0x80;
	v25 =	vld.idx.msk [tilespmem:v3+s1+$0x4070 ss:$0x1], $0xffff  }
0x48: {  	v26 =	vld.idx.msk [tilespmem:v3+s0+$0x8000 ss:$0x1], $0xffff;
	v5 =	vadd.f32 v7, v5;
	v7 =	vmul.f32 v9, v9;
	v9 =	vsub.f32 v14, v15  }
0x49: {  	v4 =	vsub.f32 v4, v20;
	v6 =	vsub.f32 v6, v21;
	v20 =	vld.idx.msk [tilespmem:v3+s0+$0x8010 ss:$0x1], $0xffff  }
0x4a: {  	v21 =	vld.idx.msk [tilespmem:v3+s0+$0x8020 ss:$0x1], $0xffff;
	v5 =	vadd.f32 v7, v5;
	v7 =	vmul.f32 v9, v9;
	v9 =	vsub.f32 v16, v17  }
0x4b: {  	v8 =	vsub.f32 v8, v22;
	v4 =	vmul.f32 v4, v4;
	v6 =	vmul.f32 v6, v6;
	v11 =	vld.idx.msk [tilespmem:v3+s1+$0x4040 ss:$0x1], $0xffff  }
0x4c: {  	v22 =	vld.idx.msk [tilespmem:v3+s0+$0x30 ss:$0x1], $0xffff;
	v5 =	vadd.f32 v7, v5;
	v7 =	vmul.f32 v9, v9;
	v9 =	vsub.f32 v18, v19  }
0x4d: {  	v8 =	vmul.f32 v8, v8;
	v4 =	vadd.f32 v6, v4;
	v15 =	vld.idx.msk [tilespmem:v3+s0+$0x0 ss:$0x1], $0xffff  }
0x4e: {  	v17 =	vld.idx.msk [tilespmem:v3+s0+$0x10 ss:$0x1], $0xffff;
	v5 =	vadd.f32 v7, v5;
	v7 =	vmul.f32 v9, v9;
	v9 =	vsub.f32 v10, v23  }
0x4f: {  	v13 =	vld.idx.msk [tilespmem:v3+s1+$0x4060 ss:$0x1], $0xffff;
	v4 =	vadd.f32 v8, v4  }
0x50: {  	v19 =	vld.idx.msk [tilespmem:v3+s0+$0x20 ss:$0x1], $0xffff;
	v5 =	vadd.f32 v7, v5;
	v7 =	vsub.f32 v12, v11;
	v9 =	vmul.f32 v9, v9  }
0x51: {  	v6 =	vld.idx.msk [tilespmem:v3+s0+$0x50 ss:$0x1], $0xffff;
	v14 =	vsub.f32 v14, v24  }
0x52: {  	v10 =	vld.idx.msk [tilespmem:v3+s0+$0x8030 ss:$0x1], $0xffff;
	(xrf2) =	vadd.scan.msk.f32 $0xffff, v5;
	v12 =	vmul.f32 v7, v7;
	v4 =	vadd.f32 v9, v4  }
0x53: {  	v23 =	vld.idx.msk [tilespmem:v3+s0+$0x40 ss:$0x1], $0xffff;
	v8 =	vsub.f32 v17, v20;
	v5 =	vsub.f32 v15, v26  }
0x54: {  	v14 =	vmul.f32 v14, v14;
	v13 =	vsub.f32 v16, v13;
	v11 =	vld.idx.msk [tilespmem:v3+s0+$0x8040 ss:$0x1], $0xffff;
	v4 =	vadd.f32 v12, v4  }
0x55: {  	v8 =	vmul.f32 v8, v8;
	v20 =	vsub.f32 v19, v21;
	v9 =	vld.idx.msk [tilespmem:v3+s0+$0x8050 ss:$0x1], $0xffff;
	v5 =	vmul.f32 v5, v5  }
0x56: {  	v18 =	vsub.f32 v18, v25;
	v13 =	vmul.f32 v13, v13;
	v7 =	vld.idx.msk [tilespmem:v3+s0+$0x60 ss:$0x1], $0xffff;
	v4 =	vadd.f32 v14, v4  }
0x57: {  	v16 =	vmul.f32 v20, v20;
	v10 =	vsub.f32 v22, v10;
	v12 =	vld.idx.msk [tilespmem:v3+s0+$0x8060 ss:$0x1], $0xffff;
	v5 =	vadd.f32 v8, v5  }
0x58: {  	v18 =	vmul.f32 v18, v18;
	v8 =	vld.idx.msk [tilespmem:v3+s0+$0x70 ss:$0x1], $0xffff;
	v4 =	vadd.f32 v13, v4  }
0x59: {  	v10 =	vmul.f32 v10, v10;
	v11 =	vsub.f32 v23, v11;
	v14 =	vld.idx.msk [tilespmem:v3+s0+$0x8070 ss:$0x1], $0xffff;
	v5 =	vadd.f32 v16, v5  }
0x5a: {  	v20 =	vld.idx.msk [tilespmem:v3+s0+$0x4010 ss:$0x1], $0xffff;
	v4 =	vadd.f32 v18, v4  }
0x5b: {  	v9 =	vsub.f32 v6, v9;
	v16 =	vld.idx.msk [tilespmem:v3+s0+$0x4000 ss:$0x1], $0xffff;
	v5 =	vadd.f32 v10, v5;
	v10 =	vmul.f32 v11, v11  }
0x5c: {  	v62 =	vld.idx.msk [tilespmem:v3+s0+$0x4040 ss:$0x1], $0xffff;
	v13 =	vmov s29;
	v21, _, _ =	vpop (xrf2);
	(xrf2) =	vadd.scan.msk.f32 $0xffff, v4  }
0x5d: {  	v9 =	vmul.f32 v9, v9;
	v12 =	vsub.f32 v7, v12;
	v11 =	vld.idx.msk [tilespmem:v3+s0+$0x4020 ss:$0x1], $0xffff;
	v10 =	vadd.f32 v10, v5  }
0x5e: {  	vm0 =	veq.s32 v13, v1;
	v18 =	vld.idx.msk [tilespmem:v3+s0+$0x4030 ss:$0x1], $0xffff;
	v63 =	vsub.f32 v8, v14  }
0x5f: {  	v13 =	vld.idx.msk [tilespmem:v3+s0+$0x4050 ss:$0x1], $0xffff;
	v21 =	vbroadcast v21, $0xF;
	v9 =	vadd.f32 v9, v10;
	v10 =	vmul.f32 v12, v12  }
0x60: {  	v17 =	vsub.f32 v17, v20;
	v14 =	vld.idx.msk [tilespmem:v3+s0+$0x4060 ss:$0x1], $0xffff;
	v5 =	vimm.f32 $0.0e+00;
	v15 =	vsub.f32 v15, v16  }
0x61: {  	s1 =	simm.s32 $0x100;
	v12 =	vld.idx.msk [tilespmem:v3+s0+$0x4070 ss:$0x1], $0xffff;
	v4 =	vsel vm0, v21, v5;
	v21 =	vmul.f32 v63, v63;
	v10 =	vadd.f32 v10, v9  }
0x62: {  	v19 =	vsub.f32 v19, v11;
	v16 =	vmul.f32 v15, v15;
	v15 =	vld.idx.msk [tilespmem:v3+s1+$0x8000 ss:$0x1], $0xffff  }
0x63: {  	v20 =	vmul.f32 v17, v17;
	v18 =	vsub.f32 v22, v18;
	v9 =	vld.idx.msk [tilespmem:v3+s1+$0x0 ss:$0x1], $0xffff;
	v11 =	vadd.f32 v21, v10  }
0x64: {  	s17 =	simm.s32 $0x600;
	s0 =	simm.s32 $0x0;
	v17 =	vmul.f32 v19, v19;
	v19 =	vsub.f32 v23, v62;
	v10 =	vld.idx.msk [tilespmem:v3+s1+$0x10 ss:$0x1], $0xffff  }
.LBB2_4:
0x65: {  	p1 =	sne.s32 s17, $0x1E00;
	v21 =	vld.idx.msk [tilespmem:v3+s1+$0x8010 ss:$0x1], $0xffff;
	v16 =	vadd.f32 v20, v16;
	v18 =	vmul.f32 v18, v18;
	(xrf2) =	vadd.scan.msk.f32 $0xffff, v11  }
0x66: {  	v6 =	vsub.f32 v6, v13;
	v7 =	vsub.f32 v7, v14;
	v11 =	vld.idx.msk [tilespmem:v3+s1+$0x20 ss:$0x1], $0xffff;
	v19 =	vmul.f32 v19, v19;
	v13, _, _ =	vpop (xrf2)  }
0x67: {  	v8 =	vsub.f32 v8, v12;
	v14 =	vld.idx.msk [tilespmem:v3+s1+$0x8020 ss:$0x1], $0xffff;
	v16 =	vadd.f32 v17, v16;
	v12 =	vbroadcast v13, $0xF  }
0x68: {  	v13 =	vmul.f32 v6, v6;
	v20 =	vmul.f32 v7, v7;
	v17 =	vld.idx.msk [tilespmem:v3+s1+$0x30 ss:$0x1], $0xffff  }
0x69: {  	v22 =	vld.idx.msk [tilespmem:v3+s1+$0x8030 ss:$0x1], $0xffff;
	v7 =	vadd.f32 v18, v16;
	v16 =	vmul.f32 v8, v8;
	v5 =	vsel vm0, v12, v5  }
0x6a: {  	v23 =	vld.idx.msk [tilespmem:v3+s1+$0x40 ss:$0x1], $0xffff  }
0x6b: {  	v8 =	vsub.f32 v9, v15;
	v12 =	vsub.f32 v10, v21;
	v15 =	vld.idx.msk [tilespmem:v3+s1+$0x8040 ss:$0x1], $0xffff  }
0x6c: {  	v18 =	vadd.f32 v19, v7;
	v6 =	vld.idx.msk [tilespmem:v3+s1+$0x50 ss:$0x1], $0xffff  }
0x6d: {  	s0 =	sadd.s32 $0x1, s0;
	v8 =	vmul.f32 v8, v8;
	v12 =	vmul.f32 v12, v12;
	v14 =	vsub.f32 v11, v14;
	v19 =	vld.idx.msk [tilespmem:v3+s1+$0x8050 ss:$0x1], $0xffff  }
0x6e: {  	v13 =	vadd.f32 v13, v18;
	v18 =	vmov s0;
	v7 =	vld.idx.msk [tilespmem:v3+s1+$0x60 ss:$0x1], $0xffff  }
0x6f: {  	v12 =	vadd.f32 v12, v8;
	v14 =	vmul.f32 v14, v14;
	v21 =	vsub.f32 v17, v22;
	v22 =	vld.idx.msk [tilespmem:v3+s1+$0x8060 ss:$0x1], $0xffff;
	v24, _, _ =	vpop (xrf2)  }
0x70: {  	vm0 =	veq.s32 v18, v1;
	v13 =	vadd.f32 v20, v13;
	v8 =	vld.idx.msk [tilespmem:v3+s1+$0x70 ss:$0x1], $0xffff;
	v18 =	vbroadcast v24, $0xF  }
0x71: {  	v12 =	vadd.f32 v14, v12;
	v14 =	vmul.f32 v21, v21;
	v15 =	vsub.f32 v23, v15;
	v20 =	vld.idx.msk [tilespmem:v3+s1+$0x8070 ss:$0x1], $0xffff  }
0x72: {  	v13 =	vadd.f32 v16, v13;
	v21 =	vld.idx.msk [tilespmem:v3+s1+$0x4000 ss:$0x1], $0xffff;
	v4 =	vsel vm0, v18, v4  }
0x73: {  	v12 =	vadd.f32 v14, v12;
	v14 =	vmul.f32 v15, v15;
	v15 =	vsub.f32 v6, v19;
	v16 =	vld.idx.msk [tilespmem:v3+s1+$0x4010 ss:$0x1], $0xffff  }
0x74: {  	v18 =	vld.idx.msk [tilespmem:v3+s1+$0x4020 ss:$0x1], $0xffff;
	(xrf2) =	vadd.scan.msk.f32 $0xffff, v13  }
0x75: {  	v12 =	vadd.f32 v14, v12;
	v14 =	vmul.f32 v15, v15;
	v15 =	vsub.f32 v7, v22;
	v19 =	vld.idx.msk [tilespmem:v3+s1+$0x4030 ss:$0x1], $0xffff  }
0x76: {  	v22 =	vld.idx.msk [tilespmem:v3+s1+$0x4040 ss:$0x1], $0xffff  }
0x77: {  	v12 =	vadd.f32 v14, v12;
	v15 =	vmul.f32 v15, v15;
	v20 =	vsub.f32 v8, v20;
	v13 =	vld.idx.msk [tilespmem:v3+s1+$0x4050 ss:$0x1], $0xffff  }
.Ltmp0:
0x78: {  	v21 =	vsub.f32 v9, v21;
	v14 =	vld.idx.msk [tilespmem:v3+s1+$0x4060 ss:$0x1], $0xffff;
	(pc) =	sbr.rel @p1 .LBB2_4-.Ltmp0, $4  }
0x79: {  	v10 =	vsub.f32 v10, v16;
	v24 =	vadd.f32 v15, v12;
	v25 =	vmul.f32 v20, v20;
	v12 =	vld.idx.msk [tilespmem:v3+s1+$0x4070 ss:$0x1], $0xffff;
	s1 =	sshra.s32 s17, $0x2  }
0x7a: {  	v16 =	vmul.f32 v21, v21;
	v21 =	vsub.f32 v11, v18;
	v9 =	vld.idx.msk [tilespmem:v3+s1+$0x0 ss:$0x1], $0xffff  }
0x7b: {  	v20 =	vmul.f32 v10, v10;
	v18 =	vsub.f32 v17, v19;
	v11 =	vadd.f32 v25, v24;
	v15 =	vld.idx.msk [tilespmem:v3+s1+$0x8000 ss:$0x1], $0xffff  }
0x7c: {  	s17 =	sadd.s32 $0x200, s17;
	v17 =	vmul.f32 v21, v21;
	v19 =	vsub.f32 v23, v22;
	v10 =	vld.idx.msk [tilespmem:v3+s1+$0x10 ss:$0x1], $0xffff  }
0x7d: {  	_ =	sdelay $0x3  }
0x7e: {  	v21 =	vld.idx.msk [tilespmem:v3+s1+$0x8010 ss:$0x1], $0xffff  }
0x7f: {  	v22 =	vld.idx.msk [tilespmem:v3+s1+$0x20 ss:$0x1], $0xffff  }
0x80: {  	v23 =	vld.idx.msk [tilespmem:v3+s1+$0x8020 ss:$0x1], $0xffff  }
0x81: {  	v51 =	vld.idx.msk [tilespmem:v3+s1+$0x30 ss:$0x1], $0xffff  }
0x82: {  	v24 =	vld.idx.msk [tilespmem:v3+s1+$0x8030 ss:$0x1], $0xffff  }
0x83: {  	v52 =	vld.idx.msk [tilespmem:v3+s1+$0x40 ss:$0x1], $0xffff  }
0x84: {  	v54 =	vld.idx.msk [tilespmem:v3+s1+$0x4000 ss:$0x1], $0xffff  }
0x85: {  	v16 =	vadd.f32 v20, v16;
	v57 =	vld.idx.msk [tilespmem:v3+s1+$0x4010 ss:$0x1], $0xffff  }
0x86: {  	v18 =	vmul.f32 v18, v18;
	v6 =	vsub.f32 v6, v13;
	v60 =	vld.idx.msk [tilespmem:v3+s1+$0x4020 ss:$0x1], $0xffff  }
0x87: {  	v25 =	vld.idx.msk [tilespmem:v3+s1+$0x8040 ss:$0x1], $0xffff;
	v7 =	vsub.f32 v7, v14;
	v55 =	vmul.f32 v19, v19;
	v16 =	vadd.f32 v17, v16  }
0x88: {  	v61 =	vld.idx.msk [tilespmem:v3+s1+$0x4030 ss:$0x1], $0xffff;
	v8 =	vsub.f32 v8, v12;
	v6 =	vmul.f32 v6, v6;
	v15 =	vsub.f32 v9, v15  }
0x89: {  	v58 =	vld.idx.msk [tilespmem:v3+s1+$0x50 ss:$0x1], $0xffff;
	v7 =	vmul.f32 v7, v7;
	v53 =	vadd.f32 v18, v16;
	v56 =	vsub.f32 v10, v21  }
0x8a: {  	v63 =	vld.idx.msk [tilespmem:v3+s1+$0x8050 ss:$0x1], $0xffff;
	v8 =	vmul.f32 v8, v8;
	v26 =	vsub.f32 v9, v54;
	v27 =	vsub.f32 v10, v57  }
0x8b: {  	v28 =	vld.idx.msk [tilespmem:v3+s1+$0x60 ss:$0x1], $0xffff;
	v15 =	vmul.f32 v15, v15;
	v29 =	vsub.f32 v22, v23;
	v19 =	vsub.f32 v22, v60  }
0x8c: {  	v30 =	vld.idx.msk [tilespmem:v3+s1+$0x4040 ss:$0x1], $0xffff;
	v32 =	vsub.f32 v51, v24;
	v13 =	vadd.f32 v55, v53;
	v59 =	vmul.f32 v56, v56  }
0x8d: {  	v31 =	vld.idx.msk [tilespmem:v3+s1+$0x8060 ss:$0x1], $0xffff;
	v12 =	vsub.f32 v51, v61;
	v9 =	vmul.f32 v26, v26;
	v10 =	vmul.f32 v27, v27  }
0x8e: {  	v33 =	vld.idx.msk [tilespmem:v3+s1+$0x4050 ss:$0x1], $0xffff;
	v18 =	vmul.f32 v29, v29;
	v6 =	vadd.f32 v6, v13;
	v62 =	vadd.f32 v59, v15  }
0x8f: {  	v34 =	vld.idx.msk [tilespmem:v3+s1+$0x70 ss:$0x1], $0xffff;
	v36 =	vsub.f32 v52, v25;
	v19 =	vmul.f32 v19, v19;
	v9 =	vadd.f32 v10, v9  }
0x90: {  	v37 =	vld.idx.msk [tilespmem:v3+s1+$0x4060 ss:$0x1], $0xffff;
	v35 =	vmul.f32 v32, v32;
	v6 =	vadd.f32 v7, v6;
	v13 =	vadd.f32 v18, v62  }
0x91: {  	v38 =	vld.idx.msk [tilespmem:v3+s1+$0x8070 ss:$0x1], $0xffff;
	v12 =	vmul.f32 v12, v12;
	v7 =	vsub.f32 v52, v30;
	v9 =	vadd.f32 v19, v9  }
0x92: {  	v3 =	vld.idx.msk [tilespmem:v3+s1+$0x4070 ss:$0x1], $0xffff;
	v39 =	vmul.f32 v36, v36;
	v15 =	vsub.f32 v58, v63;
	v13 =	vadd.f32 v35, v13  }
0x93: {  	v14 =	vsub.f32 v58, v33;
	v7 =	vmul.f32 v7, v7;
	v9 =	vadd.f32 v12, v9  }
0x94: {  	v42 =	vsub.f32 v28, v31;
	v41 =	vmul.f32 v15, v15;
	v40 =	vadd.f32 v39, v13  }
0x95: {  	v16 =	vsub.f32 v28, v37;
	v14 =	vmul.f32 v14, v14;
	v7 =	vadd.f32 v7, v9  }
0x96: {  	v45 =	vsub.f32 v34, v38;
	v44 =	vmul.f32 v42, v42;
	v43 =	vadd.f32 v41, v40  }
0x97: {  	v3 =	vsub.f32 v34, v3;
	v46 =	vmul.f32 v16, v16;
	v7 =	vadd.f32 v14, v7  }
0x98: {  	v47 =	vmul.f32 v45, v45;
	v9 =	vadd.f32 v44, v43  }
0x99: {  	v3 =	vmul.f32 v3, v3;
	v6 =	vadd.f32 v8, v6;
	v7 =	vadd.f32 v46, v7  }
0x9a: {  	(xrf2) =	vadd.scan.msk.f32 $0xffff, v11;
	v48 =	vadd.f32 v47, v9  }
0x9b: {  	(xrf2) =	vadd.scan.msk.f32 $0xffff, v6;
	v3 =	vadd.f32 v3, v7  }
0x9c: {  	(xrf2) =	vadd.scan.msk.f32 $0xffff, v48  }
0x9d: {  	(xrf2) =	vadd.scan.msk.f32 $0xffff, v3;
	_ =	sdelay $0x5  }
0x9e: {  	s0 =	sadd.s32 $0x1, s0;
	v3, _, _ =	vpop (xrf2)  }
0x9f: {  	v51 =	vmov s0;
	v49, _, _ =	vpop (xrf2)  }
0xa0: {  	s0 =	sadd.s32 $0x1, s0;
	vm15 =	veq.s32 v51, v1;
	v50, _, _ =	vpop (xrf2)  }
0xa1: {  	v55 =	vmov s0;
	v3 =	vbroadcast v3, $0xF;
	v6 =	vbroadcast v49, $0xF;
	v52, _, _ =	vpop (xrf2)  }
0xa2: {  	vm1 =	veq.s32 v55, v1;
	v53 =	vbroadcast v50, $0xF;
	v54, _, _ =	vpop (xrf2);
	v56 =	vbroadcast v52, $0xF  }
0xa3: {  	v3 =	vsel vm0, v3, v5;
	v4 =	vsel vm15, v6, v4;
	v7 =	vbroadcast v54, $0xF  }
0xa4: {  	v3 =	vsel vm15, v53, v3;
	v4 =	vsel vm1, v56, v4  }
0xa5: {  	v3 =	vsel vm1, v7, v3;
	v59 =	vmax.f32 v4, $9.999999680e-21  }
0xa6: {  	v57 =	vmax.f32 v3, $9.999999680e-21;
	v60 =	vshrl.u32 v59, $0x1  }
0xa7: {  	v7 =	vmul.f32 $5.000000000e-01, v59;
	v58 =	vshrl.u32 v57, $0x1;
	v5 =	vmul.f32 $5.000000000e-01, v57  }
0xa8: {  	v8 =	vsub.s32 $0x5F3759DF, v60;
	v6 =	vsub.s32 $0x5F3759DF, v58  }
0xa9: {  	v62 =	vmul.f32 v8, v7;
	v61 =	vmul.f32 v6, v5;
	_ =	sdelay $0x1  }
0xaa: {  	v10 =	vmul.f32 v8, v62;
	v9 =	vmul.f32 v6, v61;
	_ =	sdelay $0x1  }
0xab: {  	v10 =	vsub.f32 $1.500000000e+00, v10;
	v9 =	vsub.f32 $1.500000000e+00, v9;
	_ =	sdelay $0x1  }
0xac: {  	v8 =	vmul.f32 v8, v10;
	v6 =	vmul.f32 v6, v9;
	_ =	sdelay $0x1  }
0xad: {  	v10 =	vmul.f32 v8, v7;
	v9 =	vmul.f32 v6, v5;
	_ =	sdelay $0x1  }
0xae: {  	v10 =	vmul.f32 v10, v8;
	v9 =	vmul.f32 v9, v6;
	_ =	sdelay $0x1  }
0xaf: {  	v10 =	vsub.f32 $1.500000000e+00, v10;
	v9 =	vsub.f32 $1.500000000e+00, v9;
	_ =	sdelay $0x1  }
0xb0: {  	v8 =	vmul.f32 v10, v8;
	v6 =	vmul.f32 v9, v6;
	_ =	sdelay $0x1  }
0xb1: {  	v7 =	vmul.f32 v8, v7;
	v5 =	vmul.f32 v6, v5;
	_ =	sdelay $0x1  }
0xb2: {  	v7 =	vmul.f32 v7, v8;
	v5 =	vmul.f32 v5, v6;
	_ =	sdelay $0x1  }
0xb3: {  	v7 =	vsub.f32 $1.500000000e+00, v7;
	v5 =	vsub.f32 $1.500000000e+00, v5;
	_ =	sdelay $0x1  }
0xb4: {  	v63 =	vmul.f32 v7, v8;
	v5 =	vmul.f32 v5, v6;
	_ =	sdelay $0x1  }
0xb5: {  	v4 =	vmul.f32 v63, v4;
	v3 =	vmul.f32 v5, v3;
	_ =	sdelay $0x1  }
0xb6: {  	v3 =	vsub.f32 v3, v4  }
0xb7: {  	s31 =	sadd.s32 $0x1, s31  }
0xb8: {  	p1 =	sne.s32 s31, $0x8;
	v3 =	vadd.f32 $2.000000030e-01, v3  }
.Ltmp1:
0xb9: {  	_ = 	snop;
	(pc) =	sbr.rel @p1 .LBB2_3-.Ltmp1, $3  }
0xba: {  	v3 =	vmax.f32 v3, $0.0e+00  }
0xbb: {  	v2 =	vadd.f32 v2, v3;
	_ =	sdelay $0x1  }
0xbc: {  	s30 =	sadd.s32 $0x800, s30;
	[tilespmem:$0x18300] =	vst v2  }
0xbd: {  	s0 =	simm.s32 @p0 $0x0;
	s1 =	simm.s32 @p0 $0x3  }
0xbe: {  	[tilespmem:s0], [sflag:$0x3] =	stream.linear.gather @p0 [hbm4b:s11+s0], $0x80, $0x38;
	[tilespmem:$0x18380] =	vst v63  }
0xbf: {  	_ =	swait.ge @p0 [sflag:s1], $0x80  }
0xc0: {  	[sflag:s1] =	ssyncset.done @p0 $0x0  }
0xc1: {  	s17 =	simm.s32 @p0 $0x80;
	[sflag:s1] =	ssyncadd.s32 @p0 $0xFFFFFF80  }
0xc2: {  	[tilespmem:s17], [sflag:$0x3] =	stream.linear.gather @p0 [hbm4b:s12+s0], $0x80, $0x38;
	[tilespmem:$0x18380] =	vst v63  }
0xc3: {  	_ =	swait.ge @p0 [sflag:s1], $0x80  }
0xc4: {  	[sflag:s1] =	ssyncset.done @p0 $0x0  }
0xc5: {  	s17 =	simm.s32 @p0 $0x100;
	[sflag:s1] =	ssyncadd.s32 @p0 $0xFFFFFF80  }
0xc6: {  	[tilespmem:s17], [sflag:$0x3] =	stream.linear.gather @p0 [hbm4b:s13+s0], $0x80, $0x38;
	[tilespmem:$0x18380] =	vst v63  }
0xc7: {  	_ =	swait.ge @p0 [sflag:s1], $0x80  }
0xc8: {  	[sflag:s1] =	ssyncset.done @p0 $0x0  }
0xc9: {  	s17 =	simm.s32 @p0 $0x300;
	[sflag:s1] =	ssyncadd.s32 @p0 $0xFFFFFF80;
	s1 =	simm.s32 @p0 $0x180  }
0xca: {  	[tilespmem:s17], [sflag:$0x1] =	stream.indirect.gather @p0 [hbm4b:s2+s1], $0x80, s0, s1, $0xb8;
	[tilespmem:$0x18380] =	vst v63  }
0xcb: {  	_ =	swait.ge [sflag:s25], $0xC000  }
0xcc: {  	[sflag:s25] =	ssyncset.done $0x0  }
0xcd: {  	[sflag:s25] =	ssyncadd.s32 $0xFFFF4000  }
0xce: {  	s29 =	simm.s32 $0x0;
	s30 =	simm.s32 $0xC300;
	s31 =	simm.s32 $0x0;
	v2 =	vld [tilespmem:$0x18300]  }
.LBB2_7:
0xcf: {  	v3 =	vmov s30;
	_ =	sdelay $0x3  }
0xd0: {  	s1 =	simm.s32 $0x0  }
0xd1: {  	v4 =	vld.idx.msk [tilespmem:v3+s1+$0x0 ss:$0x1], $0xffff  }
0xd2: {  	v5 =	vld.idx.msk [tilespmem:v3+s1+$0x8000 ss:$0x1], $0xffff  }
0xd3: {  	v6 =	vld.idx.msk [tilespmem:v3+s1+$0x10 ss:$0x1], $0xffff  }
0xd4: {  	v7 =	vld.idx.msk [tilespmem:v3+s1+$0x8010 ss:$0x1], $0xffff  }
0xd5: {  	v8 =	vld.idx.msk [tilespmem:v3+s1+$0x20 ss:$0x1], $0xffff  }
0xd6: {  	v9 =	vld.idx.msk [tilespmem:v3+s1+$0x8020 ss:$0x1], $0xffff  }
0xd7: {  	v10 =	vld.idx.msk [tilespmem:v3+s1+$0x30 ss:$0x1], $0xffff  }
0xd8: {  	v11 =	vld.idx.msk [tilespmem:v3+s1+$0x8030 ss:$0x1], $0xffff  }
0xd9: {  	v12 =	vld.idx.msk [tilespmem:v3+s1+$0x40 ss:$0x1], $0xffff  }
0xda: {  	v13 =	vld.idx.msk [tilespmem:v3+s1+$0x8040 ss:$0x1], $0xffff  }
0xdb: {  	v14 =	vld.idx.msk [tilespmem:v3+s1+$0x50 ss:$0x1], $0xffff  }
0xdc: {  	v15 =	vld.idx.msk [tilespmem:v3+s1+$0x8050 ss:$0x1], $0xffff  }
0xdd: {  	v16 =	vld.idx.msk [tilespmem:v3+s1+$0x60 ss:$0x1], $0xffff  }
0xde: {  	v17 =	vld.idx.msk [tilespmem:v3+s1+$0x8060 ss:$0x1], $0xffff  }
0xdf: {  	v18 =	vld.idx.msk [tilespmem:v3+s1+$0x70 ss:$0x1], $0xffff;
	v5 =	vsub.f32 v4, v5;
	v7 =	vsub.f32 v6, v7  }
0xe0: {  	v19 =	vld.idx.msk [tilespmem:v3+s1+$0x8070 ss:$0x1], $0xffff  }
0xe1: {  	v20 =	vld.idx.msk [tilespmem:v3+s1+$0x4000 ss:$0x1], $0xffff;
	v9 =	vsub.f32 v8, v9;
	v5 =	vmul.f32 v5, v5;
	v7 =	vmul.f32 v7, v7  }
0xe2: {  	v21 =	vld.idx.msk [tilespmem:v3+s1+$0x4010 ss:$0x1], $0xffff  }
0xe3: {  	v22 =	vld.idx.msk [tilespmem:v3+s1+$0x4020 ss:$0x1], $0xffff;
	v5 =	vadd.f32 v7, v5;
	v7 =	vmul.f32 v9, v9;
	v9 =	vsub.f32 v10, v11  }
0xe4: {  	v23 =	vld.idx.msk [tilespmem:v3+s1+$0x4030 ss:$0x1], $0xffff  }
0xe5: {  	v24 =	vld.idx.msk [tilespmem:v3+s1+$0x4050 ss:$0x1], $0xffff;
	v5 =	vadd.f32 v7, v5;
	v7 =	vmul.f32 v9, v9;
	v9 =	vsub.f32 v12, v13  }
0xe6: {  	s0 =	simm.s32 $0x80;
	v25 =	vld.idx.msk [tilespmem:v3+s1+$0x4070 ss:$0x1], $0xffff  }
0xe7: {  	v26 =	vld.idx.msk [tilespmem:v3+s0+$0x8000 ss:$0x1], $0xffff;
	v5 =	vadd.f32 v7, v5;
	v7 =	vmul.f32 v9, v9;
	v9 =	vsub.f32 v14, v15  }
0xe8: {  	v4 =	vsub.f32 v4, v20;
	v6 =	vsub.f32 v6, v21;
	v20 =	vld.idx.msk [tilespmem:v3+s0+$0x8010 ss:$0x1], $0xffff  }
0xe9: {  	v21 =	vld.idx.msk [tilespmem:v3+s0+$0x8020 ss:$0x1], $0xffff;
	v5 =	vadd.f32 v7, v5;
	v7 =	vmul.f32 v9, v9;
	v9 =	vsub.f32 v16, v17  }
0xea: {  	v8 =	vsub.f32 v8, v22;
	v4 =	vmul.f32 v4, v4;
	v6 =	vmul.f32 v6, v6;
	v11 =	vld.idx.msk [tilespmem:v3+s1+$0x4040 ss:$0x1], $0xffff  }
0xeb: {  	v22 =	vld.idx.msk [tilespmem:v3+s0+$0x30 ss:$0x1], $0xffff;
	v5 =	vadd.f32 v7, v5;
	v7 =	vmul.f32 v9, v9;
	v9 =	vsub.f32 v18, v19  }
0xec: {  	v8 =	vmul.f32 v8, v8;
	v4 =	vadd.f32 v6, v4;
	v15 =	vld.idx.msk [tilespmem:v3+s0+$0x0 ss:$0x1], $0xffff  }
0xed: {  	v17 =	vld.idx.msk [tilespmem:v3+s0+$0x10 ss:$0x1], $0xffff;
	v5 =	vadd.f32 v7, v5;
	v7 =	vmul.f32 v9, v9;
	v9 =	vsub.f32 v10, v23  }
0xee: {  	v13 =	vld.idx.msk [tilespmem:v3+s1+$0x4060 ss:$0x1], $0xffff;
	v4 =	vadd.f32 v8, v4  }
0xef: {  	v19 =	vld.idx.msk [tilespmem:v3+s0+$0x20 ss:$0x1], $0xffff;
	v5 =	vadd.f32 v7, v5;
	v7 =	vsub.f32 v12, v11;
	v9 =	vmul.f32 v9, v9  }
0xf0: {  	v6 =	vld.idx.msk [tilespmem:v3+s0+$0x50 ss:$0x1], $0xffff;
	v14 =	vsub.f32 v14, v24  }
0xf1: {  	v10 =	vld.idx.msk [tilespmem:v3+s0+$0x8030 ss:$0x1], $0xffff;
	(xrf2) =	vadd.scan.msk.f32 $0xffff, v5;
	v12 =	vmul.f32 v7, v7;
	v4 =	vadd.f32 v9, v4  }
0xf2: {  	v23 =	vld.idx.msk [tilespmem:v3+s0+$0x40 ss:$0x1], $0xffff;
	v8 =	vsub.f32 v17, v20;
	v5 =	vsub.f32 v15, v26  }
0xf3: {  	v14 =	vmul.f32 v14, v14;
	v13 =	vsub.f32 v16, v13;
	v11 =	vld.idx.msk [tilespmem:v3+s0+$0x8040 ss:$0x1], $0xffff;
	v4 =	vadd.f32 v12, v4  }
0xf4: {  	v8 =	vmul.f32 v8, v8;
	v20 =	vsub.f32 v19, v21;
	v9 =	vld.idx.msk [tilespmem:v3+s0+$0x8050 ss:$0x1], $0xffff;
	v5 =	vmul.f32 v5, v5  }
0xf5: {  	v18 =	vsub.f32 v18, v25;
	v13 =	vmul.f32 v13, v13;
	v7 =	vld.idx.msk [tilespmem:v3+s0+$0x60 ss:$0x1], $0xffff;
	v4 =	vadd.f32 v14, v4  }
0xf6: {  	v16 =	vmul.f32 v20, v20;
	v10 =	vsub.f32 v22, v10;
	v12 =	vld.idx.msk [tilespmem:v3+s0+$0x8060 ss:$0x1], $0xffff;
	v5 =	vadd.f32 v8, v5  }
0xf7: {  	v18 =	vmul.f32 v18, v18;
	v8 =	vld.idx.msk [tilespmem:v3+s0+$0x70 ss:$0x1], $0xffff;
	v4 =	vadd.f32 v13, v4  }
0xf8: {  	v10 =	vmul.f32 v10, v10;
	v11 =	vsub.f32 v23, v11;
	v14 =	vld.idx.msk [tilespmem:v3+s0+$0x8070 ss:$0x1], $0xffff;
	v5 =	vadd.f32 v16, v5  }
0xf9: {  	v20 =	vld.idx.msk [tilespmem:v3+s0+$0x4010 ss:$0x1], $0xffff;
	v4 =	vadd.f32 v18, v4  }
0xfa: {  	v9 =	vsub.f32 v6, v9;
	v16 =	vld.idx.msk [tilespmem:v3+s0+$0x4000 ss:$0x1], $0xffff;
	v5 =	vadd.f32 v10, v5;
	v10 =	vmul.f32 v11, v11  }
0xfb: {  	v62 =	vld.idx.msk [tilespmem:v3+s0+$0x4040 ss:$0x1], $0xffff;
	v13 =	vmov s29;
	v21, _, _ =	vpop (xrf2);
	(xrf2) =	vadd.scan.msk.f32 $0xffff, v4  }
0xfc: {  	v9 =	vmul.f32 v9, v9;
	v12 =	vsub.f32 v7, v12;
	v11 =	vld.idx.msk [tilespmem:v3+s0+$0x4020 ss:$0x1], $0xffff;
	v10 =	vadd.f32 v10, v5  }
0xfd: {  	vm0 =	veq.s32 v13, v1;
	v18 =	vld.idx.msk [tilespmem:v3+s0+$0x4030 ss:$0x1], $0xffff;
	v63 =	vsub.f32 v8, v14  }
0xfe: {  	v13 =	vld.idx.msk [tilespmem:v3+s0+$0x4050 ss:$0x1], $0xffff;
	v21 =	vbroadcast v21, $0xF;
	v9 =	vadd.f32 v9, v10;
	v10 =	vmul.f32 v12, v12  }
0xff: {  	v17 =	vsub.f32 v17, v20;
	v14 =	vld.idx.msk [tilespmem:v3+s0+$0x4060 ss:$0x1], $0xffff;
	v5 =	vimm.f32 $0.0e+00;
	v15 =	vsub.f32 v15, v16  }
0x100: {  	s1 =	simm.s32 $0x100;
	v12 =	vld.idx.msk [tilespmem:v3+s0+$0x4070 ss:$0x1], $0xffff;
	v4 =	vsel vm0, v21, v5;
	v21 =	vmul.f32 v63, v63;
	v10 =	vadd.f32 v10, v9  }
0x101: {  	v19 =	vsub.f32 v19, v11;
	v16 =	vmul.f32 v15, v15;
	v15 =	vld.idx.msk [tilespmem:v3+s1+$0x8000 ss:$0x1], $0xffff  }
0x102: {  	v20 =	vmul.f32 v17, v17;
	v18 =	vsub.f32 v22, v18;
	v9 =	vld.idx.msk [tilespmem:v3+s1+$0x0 ss:$0x1], $0xffff;
	v11 =	vadd.f32 v21, v10  }
0x103: {  	s17 =	simm.s32 $0x600;
	s0 =	simm.s32 $0x0;
	v17 =	vmul.f32 v19, v19;
	v19 =	vsub.f32 v23, v62;
	v10 =	vld.idx.msk [tilespmem:v3+s1+$0x10 ss:$0x1], $0xffff  }
.LBB2_8:
0x104: {  	p1 =	sne.s32 s17, $0x1E00;
	v21 =	vld.idx.msk [tilespmem:v3+s1+$0x8010 ss:$0x1], $0xffff;
	v16 =	vadd.f32 v20, v16;
	v18 =	vmul.f32 v18, v18;
	(xrf2) =	vadd.scan.msk.f32 $0xffff, v11  }
0x105: {  	v6 =	vsub.f32 v6, v13;
	v7 =	vsub.f32 v7, v14;
	v11 =	vld.idx.msk [tilespmem:v3+s1+$0x20 ss:$0x1], $0xffff;
	v19 =	vmul.f32 v19, v19;
	v13, _, _ =	vpop (xrf2)  }
0x106: {  	v8 =	vsub.f32 v8, v12;
	v14 =	vld.idx.msk [tilespmem:v3+s1+$0x8020 ss:$0x1], $0xffff;
	v16 =	vadd.f32 v17, v16;
	v12 =	vbroadcast v13, $0xF  }
0x107: {  	v13 =	vmul.f32 v6, v6;
	v20 =	vmul.f32 v7, v7;
	v17 =	vld.idx.msk [tilespmem:v3+s1+$0x30 ss:$0x1], $0xffff  }
0x108: {  	v22 =	vld.idx.msk [tilespmem:v3+s1+$0x8030 ss:$0x1], $0xffff;
	v7 =	vadd.f32 v18, v16;
	v16 =	vmul.f32 v8, v8;
	v5 =	vsel vm0, v12, v5  }
0x109: {  	v23 =	vld.idx.msk [tilespmem:v3+s1+$0x40 ss:$0x1], $0xffff  }
0x10a: {  	v8 =	vsub.f32 v9, v15;
	v12 =	vsub.f32 v10, v21;
	v15 =	vld.idx.msk [tilespmem:v3+s1+$0x8040 ss:$0x1], $0xffff  }
0x10b: {  	v18 =	vadd.f32 v19, v7;
	v6 =	vld.idx.msk [tilespmem:v3+s1+$0x50 ss:$0x1], $0xffff  }
0x10c: {  	s0 =	sadd.s32 $0x1, s0;
	v8 =	vmul.f32 v8, v8;
	v12 =	vmul.f32 v12, v12;
	v14 =	vsub.f32 v11, v14;
	v19 =	vld.idx.msk [tilespmem:v3+s1+$0x8050 ss:$0x1], $0xffff  }
0x10d: {  	v13 =	vadd.f32 v13, v18;
	v18 =	vmov s0;
	v7 =	vld.idx.msk [tilespmem:v3+s1+$0x60 ss:$0x1], $0xffff  }
0x10e: {  	v12 =	vadd.f32 v12, v8;
	v14 =	vmul.f32 v14, v14;
	v21 =	vsub.f32 v17, v22;
	v22 =	vld.idx.msk [tilespmem:v3+s1+$0x8060 ss:$0x1], $0xffff;
	v24, _, _ =	vpop (xrf2)  }
0x10f: {  	vm0 =	veq.s32 v18, v1;
	v13 =	vadd.f32 v20, v13;
	v8 =	vld.idx.msk [tilespmem:v3+s1+$0x70 ss:$0x1], $0xffff;
	v18 =	vbroadcast v24, $0xF  }
0x110: {  	v12 =	vadd.f32 v14, v12;
	v14 =	vmul.f32 v21, v21;
	v15 =	vsub.f32 v23, v15;
	v20 =	vld.idx.msk [tilespmem:v3+s1+$0x8070 ss:$0x1], $0xffff  }
0x111: {  	v13 =	vadd.f32 v16, v13;
	v21 =	vld.idx.msk [tilespmem:v3+s1+$0x4000 ss:$0x1], $0xffff;
	v4 =	vsel vm0, v18, v4  }
0x112: {  	v12 =	vadd.f32 v14, v12;
	v14 =	vmul.f32 v15, v15;
	v15 =	vsub.f32 v6, v19;
	v16 =	vld.idx.msk [tilespmem:v3+s1+$0x4010 ss:$0x1], $0xffff  }
0x113: {  	v18 =	vld.idx.msk [tilespmem:v3+s1+$0x4020 ss:$0x1], $0xffff;
	(xrf2) =	vadd.scan.msk.f32 $0xffff, v13  }
0x114: {  	v12 =	vadd.f32 v14, v12;
	v14 =	vmul.f32 v15, v15;
	v15 =	vsub.f32 v7, v22;
	v19 =	vld.idx.msk [tilespmem:v3+s1+$0x4030 ss:$0x1], $0xffff  }
0x115: {  	v22 =	vld.idx.msk [tilespmem:v3+s1+$0x4040 ss:$0x1], $0xffff  }
0x116: {  	v12 =	vadd.f32 v14, v12;
	v15 =	vmul.f32 v15, v15;
	v20 =	vsub.f32 v8, v20;
	v13 =	vld.idx.msk [tilespmem:v3+s1+$0x4050 ss:$0x1], $0xffff  }
.Ltmp2:
0x117: {  	v21 =	vsub.f32 v9, v21;
	v14 =	vld.idx.msk [tilespmem:v3+s1+$0x4060 ss:$0x1], $0xffff;
	(pc) =	sbr.rel @p1 .LBB2_8-.Ltmp2, $4  }
0x118: {  	v10 =	vsub.f32 v10, v16;
	v24 =	vadd.f32 v15, v12;
	v25 =	vmul.f32 v20, v20;
	v12 =	vld.idx.msk [tilespmem:v3+s1+$0x4070 ss:$0x1], $0xffff;
	s1 =	sshra.s32 s17, $0x2  }
0x119: {  	v16 =	vmul.f32 v21, v21;
	v21 =	vsub.f32 v11, v18;
	v9 =	vld.idx.msk [tilespmem:v3+s1+$0x0 ss:$0x1], $0xffff  }
0x11a: {  	v20 =	vmul.f32 v10, v10;
	v18 =	vsub.f32 v17, v19;
	v11 =	vadd.f32 v25, v24;
	v15 =	vld.idx.msk [tilespmem:v3+s1+$0x8000 ss:$0x1], $0xffff  }
0x11b: {  	s17 =	sadd.s32 $0x200, s17;
	v17 =	vmul.f32 v21, v21;
	v19 =	vsub.f32 v23, v22;
	v10 =	vld.idx.msk [tilespmem:v3+s1+$0x10 ss:$0x1], $0xffff  }
0x11c: {  	_ =	sdelay $0x3  }
0x11d: {  	v21 =	vld.idx.msk [tilespmem:v3+s1+$0x8010 ss:$0x1], $0xffff  }
0x11e: {  	v22 =	vld.idx.msk [tilespmem:v3+s1+$0x20 ss:$0x1], $0xffff  }
0x11f: {  	v23 =	vld.idx.msk [tilespmem:v3+s1+$0x8020 ss:$0x1], $0xffff  }
0x120: {  	v51 =	vld.idx.msk [tilespmem:v3+s1+$0x30 ss:$0x1], $0xffff  }
0x121: {  	v24 =	vld.idx.msk [tilespmem:v3+s1+$0x8030 ss:$0x1], $0xffff  }
0x122: {  	v52 =	vld.idx.msk [tilespmem:v3+s1+$0x40 ss:$0x1], $0xffff  }
0x123: {  	v54 =	vld.idx.msk [tilespmem:v3+s1+$0x4000 ss:$0x1], $0xffff  }
0x124: {  	v16 =	vadd.f32 v20, v16;
	v57 =	vld.idx.msk [tilespmem:v3+s1+$0x4010 ss:$0x1], $0xffff  }
0x125: {  	v18 =	vmul.f32 v18, v18;
	v6 =	vsub.f32 v6, v13;
	v60 =	vld.idx.msk [tilespmem:v3+s1+$0x4020 ss:$0x1], $0xffff  }
0x126: {  	v25 =	vld.idx.msk [tilespmem:v3+s1+$0x8040 ss:$0x1], $0xffff;
	v7 =	vsub.f32 v7, v14;
	v55 =	vmul.f32 v19, v19;
	v16 =	vadd.f32 v17, v16  }
0x127: {  	v61 =	vld.idx.msk [tilespmem:v3+s1+$0x4030 ss:$0x1], $0xffff;
	v8 =	vsub.f32 v8, v12;
	v6 =	vmul.f32 v6, v6;
	v15 =	vsub.f32 v9, v15  }
0x128: {  	v58 =	vld.idx.msk [tilespmem:v3+s1+$0x50 ss:$0x1], $0xffff;
	v7 =	vmul.f32 v7, v7;
	v53 =	vadd.f32 v18, v16;
	v56 =	vsub.f32 v10, v21  }
0x129: {  	v63 =	vld.idx.msk [tilespmem:v3+s1+$0x8050 ss:$0x1], $0xffff;
	v8 =	vmul.f32 v8, v8;
	v26 =	vsub.f32 v9, v54;
	v27 =	vsub.f32 v10, v57  }
0x12a: {  	v28 =	vld.idx.msk [tilespmem:v3+s1+$0x60 ss:$0x1], $0xffff;
	v15 =	vmul.f32 v15, v15;
	v29 =	vsub.f32 v22, v23;
	v19 =	vsub.f32 v22, v60  }
0x12b: {  	v30 =	vld.idx.msk [tilespmem:v3+s1+$0x4040 ss:$0x1], $0xffff;
	v32 =	vsub.f32 v51, v24;
	v13 =	vadd.f32 v55, v53;
	v59 =	vmul.f32 v56, v56  }
0x12c: {  	v31 =	vld.idx.msk [tilespmem:v3+s1+$0x8060 ss:$0x1], $0xffff;
	v12 =	vsub.f32 v51, v61;
	v9 =	vmul.f32 v26, v26;
	v10 =	vmul.f32 v27, v27  }
0x12d: {  	v33 =	vld.idx.msk [tilespmem:v3+s1+$0x4050 ss:$0x1], $0xffff;
	v18 =	vmul.f32 v29, v29;
	v6 =	vadd.f32 v6, v13;
	v62 =	vadd.f32 v59, v15  }
0x12e: {  	v34 =	vld.idx.msk [tilespmem:v3+s1+$0x70 ss:$0x1], $0xffff;
	v36 =	vsub.f32 v52, v25;
	v19 =	vmul.f32 v19, v19;
	v9 =	vadd.f32 v10, v9  }
0x12f: {  	v37 =	vld.idx.msk [tilespmem:v3+s1+$0x4060 ss:$0x1], $0xffff;
	v35 =	vmul.f32 v32, v32;
	v6 =	vadd.f32 v7, v6;
	v13 =	vadd.f32 v18, v62  }
0x130: {  	v38 =	vld.idx.msk [tilespmem:v3+s1+$0x8070 ss:$0x1], $0xffff;
	v12 =	vmul.f32 v12, v12;
	v7 =	vsub.f32 v52, v30;
	v9 =	vadd.f32 v19, v9  }
0x131: {  	v3 =	vld.idx.msk [tilespmem:v3+s1+$0x4070 ss:$0x1], $0xffff;
	v39 =	vmul.f32 v36, v36;
	v15 =	vsub.f32 v58, v63;
	v13 =	vadd.f32 v35, v13  }
0x132: {  	v14 =	vsub.f32 v58, v33;
	v7 =	vmul.f32 v7, v7;
	v9 =	vadd.f32 v12, v9  }
0x133: {  	v42 =	vsub.f32 v28, v31;
	v41 =	vmul.f32 v15, v15;
	v40 =	vadd.f32 v39, v13  }
0x134: {  	v16 =	vsub.f32 v28, v37;
	v14 =	vmul.f32 v14, v14;
	v7 =	vadd.f32 v7, v9  }
0x135: {  	v45 =	vsub.f32 v34, v38;
	v44 =	vmul.f32 v42, v42;
	v43 =	vadd.f32 v41, v40  }
0x136: {  	v3 =	vsub.f32 v34, v3;
	v46 =	vmul.f32 v16, v16;
	v7 =	vadd.f32 v14, v7  }
0x137: {  	v47 =	vmul.f32 v45, v45;
	v9 =	vadd.f32 v44, v43  }
0x138: {  	v3 =	vmul.f32 v3, v3;
	v6 =	vadd.f32 v8, v6;
	v7 =	vadd.f32 v46, v7  }
0x139: {  	(xrf2) =	vadd.scan.msk.f32 $0xffff, v11;
	v48 =	vadd.f32 v47, v9  }
0x13a: {  	(xrf2) =	vadd.scan.msk.f32 $0xffff, v6;
	v3 =	vadd.f32 v3, v7  }
0x13b: {  	(xrf2) =	vadd.scan.msk.f32 $0xffff, v48  }
0x13c: {  	(xrf2) =	vadd.scan.msk.f32 $0xffff, v3;
	_ =	sdelay $0x5  }
0x13d: {  	s0 =	sadd.s32 $0x1, s0;
	v3, _, _ =	vpop (xrf2)  }
0x13e: {  	v51 =	vmov s0;
	v49, _, _ =	vpop (xrf2)  }
0x13f: {  	s0 =	sadd.s32 $0x1, s0;
	vm15 =	veq.s32 v51, v1;
	v50, _, _ =	vpop (xrf2)  }
0x140: {  	v55 =	vmov s0;
	v3 =	vbroadcast v3, $0xF;
	v6 =	vbroadcast v49, $0xF;
	v52, _, _ =	vpop (xrf2)  }
0x141: {  	vm1 =	veq.s32 v55, v1;
	v53 =	vbroadcast v50, $0xF;
	v54, _, _ =	vpop (xrf2);
	v56 =	vbroadcast v52, $0xF  }
0x142: {  	v3 =	vsel vm0, v3, v5;
	v4 =	vsel vm15, v6, v4;
	v7 =	vbroadcast v54, $0xF  }
0x143: {  	v3 =	vsel vm15, v53, v3;
	v4 =	vsel vm1, v56, v4  }
0x144: {  	v3 =	vsel vm1, v7, v3;
	v59 =	vmax.f32 v4, $9.999999680e-21  }
0x145: {  	v57 =	vmax.f32 v3, $9.999999680e-21;
	v60 =	vshrl.u32 v59, $0x1  }
0x146: {  	v7 =	vmul.f32 $5.000000000e-01, v59;
	v58 =	vshrl.u32 v57, $0x1;
	v5 =	vmul.f32 $5.000000000e-01, v57  }
0x147: {  	v8 =	vsub.s32 $0x5F3759DF, v60;
	v6 =	vsub.s32 $0x5F3759DF, v58  }
0x148: {  	v62 =	vmul.f32 v8, v7;
	v61 =	vmul.f32 v6, v5;
	_ =	sdelay $0x1  }
0x149: {  	v10 =	vmul.f32 v8, v62;
	v9 =	vmul.f32 v6, v61;
	_ =	sdelay $0x1  }
0x14a: {  	v10 =	vsub.f32 $1.500000000e+00, v10;
	v9 =	vsub.f32 $1.500000000e+00, v9;
	_ =	sdelay $0x1  }
0x14b: {  	v8 =	vmul.f32 v8, v10;
	v6 =	vmul.f32 v6, v9;
	_ =	sdelay $0x1  }
0x14c: {  	v10 =	vmul.f32 v8, v7;
	v9 =	vmul.f32 v6, v5;
	_ =	sdelay $0x1  }
0x14d: {  	v10 =	vmul.f32 v10, v8;
	v9 =	vmul.f32 v9, v6;
	_ =	sdelay $0x1  }
0x14e: {  	v10 =	vsub.f32 $1.500000000e+00, v10;
	v9 =	vsub.f32 $1.500000000e+00, v9;
	_ =	sdelay $0x1  }
0x14f: {  	v8 =	vmul.f32 v10, v8;
	v6 =	vmul.f32 v9, v6;
	_ =	sdelay $0x1  }
0x150: {  	v7 =	vmul.f32 v8, v7;
	v5 =	vmul.f32 v6, v5;
	_ =	sdelay $0x1  }
0x151: {  	v7 =	vmul.f32 v7, v8;
	v5 =	vmul.f32 v5, v6;
	_ =	sdelay $0x1  }
0x152: {  	v7 =	vsub.f32 $1.500000000e+00, v7;
	v5 =	vsub.f32 $1.500000000e+00, v5;
	_ =	sdelay $0x1  }
0x153: {  	v63 =	vmul.f32 v7, v8;
	v5 =	vmul.f32 v5, v6;
	_ =	sdelay $0x1  }
0x154: {  	v4 =	vmul.f32 v63, v4;
	v3 =	vmul.f32 v5, v3;
	_ =	sdelay $0x1  }
0x155: {  	v3 =	vsub.f32 v3, v4  }
0x156: {  	s31 =	sadd.s32 $0x1, s31  }
0x157: {  	p1 =	sne.s32 s31, $0x8;
	v3 =	vadd.f32 $2.000000030e-01, v3  }
.Ltmp3:
0x158: {  	_ = 	snop;
	(pc) =	sbr.rel @p1 .LBB2_7-.Ltmp3, $3  }
0x159: {  	v3 =	vmax.f32 v3, $0.0e+00  }
0x15a: {  	v2 =	vadd.f32 v2, v3;
	_ =	sdelay $0x1  }
0x15b: {  	s30 =	sadd.s32 $0x800, s30;
	[tilespmem:$0x18300] =	vst v2  }
.Ltmp4:
0x15c: {  	(pc) =	sbr.rel @p0 .LBB2_2-.Ltmp4, $2  }
0x15d: {  	_ =	sdelay $0x2  }
0x15e: {  	s0 =	simm.s32 $0x20;
	p1 =	por $0x0, $0x0  }
0x15f: {  	s28 =	sadd.s32 $0x1, s28  }
0x160: {  	p0 =	sne.s32 s28, s15  }
.Ltmp5:
0x161: {  	_ = 	snop;
	(pc) =	sbr.rel @p0 .LBB2_1-.Ltmp5, $4  }
0x162: {  	[hbm4b:s14+s3] =	stream.linear.scatter [tilespmem:s26], [sflag:$0x3], $0x10, $0x38;
	[tilespmem:$0x18380] =	vst v63  }
0x163: {  	_ =	swait.ge [sflag:s16], $0x10  }
0x164: {  	[sflag:s16] =	ssyncset.done $0x0  }
0x165: {  	[sflag:s16] =	ssyncadd.s32 $0xFFFFFFF0  }
0x166: {  	_ =	sfence.sel $0x180000  }
0x167: {  	[bflag:$0x0] =	sbarrier.arrive $0xFFFF  }
0x168: {  	_ =	strace $0x90000047  }
0x169: {  	s0 =	stileid.u32;
	[bflag:$0x2] =	sbarrier.arrive $0xFFFF  }
0x16a: {  	p0 =	sne.s32 s0, $0x0;
	s0 =	rddreg [dreg:$0x2]  }
0x16b: {  	s0 =	sadd.s32 @!p0 $0x100000, s0  }
0x16c: {  	[sflag:s0] =	ssyncadd.tile.s32 @!p0 $0x1;
	_ =	shalt  }
.Lfunc_end2:
_tile_overlayer_lowered:
.L_overlay_start_2:
0x16d: {  	(tag) =	ssettag $0x2  }
0x16e: {  	s0 =	rddreg [dreg:$0x0];
	s2 =	stileid.u32  }
0x16f: {  	s1 =	rddreg [dreg:$0x1];
	p0 =	sne.s32 s2, $0x0  }
0x170: {  	s3 =	rddreg [dreg:$0x2];
	[bflag:$0x3] =	sbarrier.arrive $0xFFFF;
	s2 =	simm.s32 @!p0 $0x1C03  }
0x171: {  	[timem:s3], [sflag:s2] =	dma.local @!p0 [hbm:s0], s1  }
0x172: {  	s0 =	simm.s32 @!p0 $0x3  }
0x173: {  	_ =	swait.ge @!p0 [sflag:s0], s1  }
0x174: {  	s1 =	ssub.s32 @!p0 $0x0, s1;
	[sflag:s0] =	ssyncset.done @!p0 $0x0  }
0x175: {  	[sflag:s0] =	ssyncadd.s32 @!p0 s1  }
0x176: {  	[bflag:$0x3] =	sbarrier.arrive $0xFFFF  }
0x177: {  	_ =	shalt  }

</sc_bundles>
